<compile_context>
chip_gen: v7x
topology: tpu7x:2x2x1
jax: 0.10.2.dev20260603
libtpu: 0.0.44.dev20260713+nightly
codegen_flags: <defaults>
</compile_context>

<pallas_src>
import functools

import jax
import jax.numpy as jnp
from jax import lax
from jax.experimental import pallas as pl
from jax.experimental.pallas import tpu as pltpu
from jax.experimental.pallas import tpu_sc as plsc

_N = 10000
_E = 320000
_NC = 2
_NS = 16
_NW = _NC * _NS
_EPT = _E // _NW
_CHUNK = 80
_NCHUNK = _EPT // _CHUNK
_RPT = _N // _NS

_M_BLK = 2000


def _make_aggregate(d):
    mesh = plsc.VectorSubcoreMesh(core_axis_name="c", subcore_axis_name="s")

    @functools.partial(
        pl.kernel,
        out_type=jax.ShapeDtypeStruct((_NC, _NS, _RPT, d), jnp.float32),
        mesh=mesh,
        scratch_types=[
            pltpu.VMEM((_NCHUNK, _CHUNK), jnp.int32),
            pltpu.VMEM((_NCHUNK, _CHUNK), jnp.int32),
            pltpu.VMEM((_CHUNK, d), jnp.float32),
            pltpu.VMEM_SHARED((_N, d), jnp.float32),
            pltpu.SemaphoreType.DMA,
        ],
    )
    def agg(y_hbm, src_hbm, dst_hbm, zeros_hbm, out_hbm,
            src_v, dst_v, rows_v, accum, sem):
        cid = lax.axis_index("c")
        sid = lax.axis_index("s")
        slot = cid * _NS + sid

        pltpu.sync_copy(zeros_hbm, accum.at[pl.ds(sid * _RPT, _RPT)])
        pltpu.sync_copy(src_hbm.at[slot], src_v)
        pltpu.sync_copy(dst_hbm.at[slot], dst_v)
        plsc.subcore_barrier()

        def body(j, carry):
            pltpu.async_copy(y_hbm.at[src_v.at[j]], rows_v, sem).wait()
            pltpu.sync_copy(rows_v, accum.at[dst_v.at[j]], add=True)
            return carry

        lax.fori_loop(0, _NCHUNK, body, 0)
        plsc.subcore_barrier()
        pltpu.sync_copy(accum.at[pl.ds(sid * _RPT, _RPT)], out_hbm.at[cid, sid])

    return agg


_AGG128 = _make_aggregate(128)


def _mm_body(x_ref, w_ref, o_ref):
    o_ref[...] = jnp.dot(x_ref[...], w_ref[...],
                         preferred_element_type=jnp.float32)


def _matmul(x, w):
    m, k = x.shape
    n = w.shape[1]
    return pl.pallas_call(
        _mm_body,
        grid=(m // _M_BLK,),
        in_specs=[
            pl.BlockSpec((_M_BLK, k), lambda i: (i, 0)),
            pl.BlockSpec((k, n), lambda i: (0, 0)),
        ],
        out_specs=pl.BlockSpec((_M_BLK, n), lambda i: (i, 0)),
        out_shape=jax.ShapeDtypeStruct((m, n), jnp.float32),
    )(x, w)


def _fused_body(p_ref, b_ref, w_ref, o_ref):
    h = jnp.maximum(p_ref[0] + p_ref[1] + b_ref[...], 0.0)
    o_ref[...] = jnp.dot(h, w_ref[...], preferred_element_type=jnp.float32)


def _fused_matmul(p, b, w):
    _, m, k = p.shape
    n = w.shape[1]
    return pl.pallas_call(
        _fused_body,
        grid=(m // _M_BLK,),
        in_specs=[
            pl.BlockSpec((_NC, _M_BLK, k), lambda i: (0, i, 0)),
            pl.BlockSpec((1, k), lambda i: (0, 0)),
            pl.BlockSpec((k, n), lambda i: (0, 0)),
        ],
        out_specs=pl.BlockSpec((_M_BLK, n), lambda i: (i, 0)),
        out_shape=jax.ShapeDtypeStruct((m, n), jnp.float32),
    )(p, b, w)


def _relu_body(p_ref, b_ref, o_ref):
    o_ref[...] = jnp.maximum(p_ref[0] + p_ref[1] + b_ref[...], 0.0)


def _relu_add(p, b):
    _, m, n = p.shape
    return pl.pallas_call(
        _relu_body,
        grid=(m // _M_BLK,),
        in_specs=[
            pl.BlockSpec((_NC, _M_BLK, n), lambda i: (0, i, 0)),
            pl.BlockSpec((1, n), lambda i: (0, 0)),
        ],
        out_specs=pl.BlockSpec((_M_BLK, n), lambda i: (i, 0)),
        out_shape=jax.ShapeDtypeStruct((m, n), jnp.float32),
    )(p, b)


def _final_body(p_ref, w_ref, b_ref, o_ref):
    acc = jnp.dot(p_ref[0] + p_ref[1], w_ref[...],
                  preferred_element_type=jnp.float32)
    o_ref[...] = acc + b_ref[...]


def _final_matmul(p, w, b):
    _, m, k = p.shape
    n = w.shape[1]
    return pl.pallas_call(
        _final_body,
        grid=(m // _M_BLK,),
        in_specs=[
            pl.BlockSpec((_NC, _M_BLK, k), lambda i: (0, i, 0)),
            pl.BlockSpec((k, n), lambda i: (0, 0)),
            pl.BlockSpec((1, n), lambda i: (0, 0)),
        ],
        out_specs=pl.BlockSpec((_M_BLK, n), lambda i: (i, 0)),
        out_shape=jax.ShapeDtypeStruct((m, n), jnp.float32),
    )(p, w, b)


def kernel(features, edge_index, W0, b0, W1, b1, W2, b2):
    src = edge_index[0].reshape(_NW, _NCHUNK, _CHUNK)
    dst = edge_index[1].reshape(_NW, _NCHUNK, _CHUNK)
    z128 = jnp.zeros((_RPT, 128), jnp.float32)

    t = _matmul(features, W0)
    p = _AGG128(t, src, dst, z128).reshape(_NC, _N, 128)
    t = _fused_matmul(p, b0.reshape(1, -1), W1)
    p = _AGG128(t, src, dst, z128).reshape(_NC, _N, 128)
    t = _relu_add(p, b1.reshape(1, -1))
    p = _AGG128(t, src, dst, z128).reshape(_NC, _N, 128)
    return _final_matmul(p, W2, b2.reshape(1, -1))

# --- scband reference (transcript-rebuilt; emitter-appended) ---
"""Pipeline reference for scband-gcn-16724602651157 (READ-ONLY COPY).

The authoritative reference and input builder live on the scoring server;
editing this copy changes nothing except your own understanding.
"""

import jax, jax.numpy as jnp
import numpy as np

N_NODES = 10000
N_EDGES = 320000
IN_FEATS = 128
N_HIDDEN = 128
N_CLASSES = 64


def setup_inputs(seed: int = 0) -> dict:
    key = jax.random.key(seed)
    ks = jax.random.split(key, 8)
    features = jax.random.normal(ks[0], (N_NODES, IN_FEATS), dtype=jnp.float32)
    edge_index = jax.random.randint(ks[1], (2, N_EDGES), 0, N_NODES, dtype=jnp.int64 if jax.config.jax_enable_x64 else jnp.int32).astype(jnp.int32)
    # layer 0: in_feats -> n_hidden (relu)
    W0 = jax.random.normal(ks[2], (IN_FEATS, N_HIDDEN), dtype=jnp.float32) * (1.0 / np.sqrt(IN_FEATS))
    b0 = jnp.zeros((N_HIDDEN,), dtype=jnp.float32)
    # layer 1 (n_layers-1 = 1 hidden layer): n_hidden -> n_hidden (relu)
    W1 = jax.random.normal(ks[3], (N_HIDDEN, N_HIDDEN), dtype=jnp.float32) * (1.0 / np.sqrt(N_HIDDEN))
    b1 = jnp.zeros((N_HIDDEN,), dtype=jnp.float32)
    # final layer: n_hidden -> n_classes (no activation)
    W2 = jax.random.normal(ks[4], (N_HIDDEN, N_CLASSES), dtype=jnp.float32) * (1.0 / np.sqrt(N_HIDDEN))
    b2 = jnp.zeros((N_CLASSES,), dtype=jnp.float32)
    return {"features": features, "edge_index": edge_index, "W0": W0, "b0": b0, "W1": W1, "b1": b1, "W2": W2, "b2": b2}


def _gcn_layer(h, src, dst, W, b, act):
    # gcn_msg: message = src node features; gcn_reduce: sum of messages
    msgs = jnp.take(h, src, axis=0)
    accum = jnp.zeros((N_NODES, h.shape[1]), dtype=h.dtype).at[dst].add(msgs)
    # NodeUpdateModule: linear (+ optional activation)
    h_new = accum @ W + b
    if act:
        h_new = jax.nn.relu(h_new)
    return h_new


def reference(features, edge_index, W0, b0, W1, b1, W2, b2):
    src = edge_index[0]
    dst = edge_index[1]
    h = features
    h = _gcn_layer(h, src, dst, W0, b0, True)
    h = _gcn_layer(h, src, dst, W1, b1, True)
    h = _gcn_layer(h, src, dst, W2, b2, False)
    return h

if __name__ == "__main__":
    import jax
    _d = setup_inputs()
    print(jax.jit(kernel)(*tuple(_d.values())))

</pallas_src>

<mosaic_0001>
#map = affine_map<(d0, d1) -> (0, 0)>
#map1 = affine_map<(d0, d1) -> (0, 0, 0)>
#map2 = affine_map<(d0, d1) -> (0, 0, 0, 0)>
module attributes {stable_mosaic.version = 14 : i64} {
  func.func @agg(%arg0: i32, %arg1: i32, %arg2: memref<10000x128xf32, #tpu.memory_space<hbm>>, %arg3: memref<32x125x80xi32, #tpu.memory_space<hbm>>, %arg4: memref<32x125x80xi32, #tpu.memory_space<hbm>>, %arg5: memref<625x128xf32, #tpu.memory_space<hbm>>, %arg6: memref<2x16x625x128xf32, #tpu.memory_space<hbm>>, %arg7: memref<125x80xi32, #tpu.memory_space<vmem>>, %arg8: memref<125x80xi32, #tpu.memory_space<vmem>>, %arg9: memref<80x128xf32, #tpu.memory_space<vmem>>, %arg10: memref<10000x128xf32, #tpu.memory_space<vmem_shared>>, %arg11: memref<!tpu.dma_semaphore, #tpu.memory_space<semaphore_mem>>) attributes {dimension_semantics = [#tpu.dimension_semantics<core_parallel>, #tpu.dimension_semantics<subcore_parallel>], iteration_bounds = array<i64: 2, 16>, scalar_prefetch = 0 : i64, scratch_operands = 5 : i64, tpu.core_type = #tpu.core_type<sc_vector_subcore>, window_params = [{transform_indices = #map}, {transform_indices = #map1}, {transform_indices = #map1}, {transform_indices = #map}, {transform_indices = #map2}]} {
    %mul3A = arith.constant 16 : i32
    %mul3A_0 = arith.muli %arg0, %mul3A : i32
    %add3A = arith.addi %mul3A_0, %arg1 : i32
    %mul3A_1 = arith.constant 625 : i32
    %mul3A_2 = arith.muli %arg1, %mul3A_1 : i32
    "tpu.region"() ({
      %run_scoped3A = tpu.sem_alloc : memref<!tpu.dma_semaphore, #tpu.memory_space<semaphore_mem>>
      %dma_start3A = arith.constant 0 : i32
      %dma_start3A_11 = tpu.memref_slice %arg10[%mul3A_2, %dma_start3A] : memref<10000x128xf32, #tpu.memory_space<vmem_shared>> -> memref<625x128xf32, #tpu.memory_space<vmem_shared>>
      tpu.enqueue_dma source(%arg5 : memref<625x128xf32, #tpu.memory_space<hbm>>) target(%dma_start3A_11 : memref<625x128xf32, #tpu.memory_space<vmem_shared>>) target_semaphore(%run_scoped3A : memref<!tpu.dma_semaphore, #tpu.memory_space<semaphore_mem>>)
      %dma_wait3A = arith.constant 0 : i32
      %dma_wait3A_12 = tpu.memref_slice %arg10[%mul3A_2, %dma_wait3A] : memref<10000x128xf32, #tpu.memory_space<vmem_shared>> -> memref<625x128xf32, #tpu.memory_space<vmem_shared>>
      tpu.wait_dma2 semaphore(%run_scoped3A : memref<!tpu.dma_semaphore, #tpu.memory_space<semaphore_mem>>) src(%arg5 : memref<625x128xf32, #tpu.memory_space<hbm>>) dst(%dma_wait3A_12 : memref<625x128xf32, #tpu.memory_space<vmem_shared>>)
      tpu.yield
    }) : () -> ()
    "tpu.region"() ({
      %run_scoped3A = tpu.sem_alloc : memref<!tpu.dma_semaphore, #tpu.memory_space<semaphore_mem>>
      %dma_start3A = arith.constant 0 : i32
      %dma_start3A_11 = arith.constant 0 : i32
      %dma_start3A_12 = tpu.memref_slice %arg3[%add3A, %dma_start3A, %dma_start3A_11] : memref<32x125x80xi32, #tpu.memory_space<hbm>> -> memref<1x125x80xi32, #tpu.memory_space<hbm>>
      %dma_start3A_13 = tpu.memref_squeeze %dma_start3A_12 : memref<1x125x80xi32, #tpu.memory_space<hbm>> -> memref<125x80xi32, #tpu.memory_space<hbm>>
      %dma_start3A_14 = arith.constant 0 : i32
      %dma_start3A_15 = arith.constant 0 : i32
      %dma_start3A_16 = tpu.memref_slice %arg3[%add3A, %dma_start3A_14, %dma_start3A_15] : memref<32x125x80xi32, #tpu.memory_space<hbm>> -> memref<1x125x80xi32, #tpu.memory_space<hbm>>
      %dma_start3A_17 = tpu.memref_squeeze %dma_start3A_16 : memref<1x125x80xi32, #tpu.memory_space<hbm>> -> memref<125x80xi32, #tpu.memory_space<hbm>>
      tpu.enqueue_dma source(%dma_start3A_17 : memref<125x80xi32, #tpu.memory_space<hbm>>) target(%arg7 : memref<125x80xi32, #tpu.memory_space<vmem>>) target_semaphore(%run_scoped3A : memref<!tpu.dma_semaphore, #tpu.memory_space<semaphore_mem>>)
      %dma_wait3A = arith.constant 0 : i32
      %dma_wait3A_18 = arith.constant 0 : i32
      %dma_wait3A_19 = tpu.memref_slice %arg3[%add3A, %dma_wait3A, %dma_wait3A_18] : memref<32x125x80xi32, #tpu.memory_space<hbm>> -> memref<1x125x80xi32, #tpu.memory_space<hbm>>
      %dma_wait3A_20 = tpu.memref_squeeze %dma_wait3A_19 : memref<1x125x80xi32, #tpu.memory_space<hbm>> -> memref<125x80xi32, #tpu.memory_space<hbm>>
      %dma_wait3A_21 = arith.constant 0 : i32
      %dma_wait3A_22 = arith.constant 0 : i32
      %dma_wait3A_23 = tpu.memref_slice %arg3[%add3A, %dma_wait3A_21, %dma_wait3A_22] : memref<32x125x80xi32, #tpu.memory_space<hbm>> -> memref<1x125x80xi32, #tpu.memory_space<hbm>>
      %dma_wait3A_24 = tpu.memref_squeeze %dma_wait3A_23 : memref<1x125x80xi32, #tpu.memory_space<hbm>> -> memref<125x80xi32, #tpu.memory_space<hbm>>
      tpu.wait_dma2 semaphore(%run_scoped3A : memref<!tpu.dma_semaphore, #tpu.memory_space<semaphore_mem>>) src(%dma_wait3A_24 : memref<125x80xi32, #tpu.memory_space<hbm>>) dst(%arg7 : memref<125x80xi32, #tpu.memory_space<vmem>>)
      tpu.yield
    }) : () -> ()
    "tpu.region"() ({
      %run_scoped3A = tpu.sem_alloc : memref<!tpu.dma_semaphore, #tpu.memory_space<semaphore_mem>>
      %dma_start3A = arith.constant 0 : i32
      %dma_start3A_11 = arith.constant 0 : i32
      %dma_start3A_12 = tpu.memref_slice %arg4[%add3A, %dma_start3A, %dma_start3A_11] : memref<32x125x80xi32, #tpu.memory_space<hbm>> -> memref<1x125x80xi32, #tpu.memory_space<hbm>>
      %dma_start3A_13 = tpu.memref_squeeze %dma_start3A_12 : memref<1x125x80xi32, #tpu.memory_space<hbm>> -> memref<125x80xi32, #tpu.memory_space<hbm>>
      %dma_start3A_14 = arith.constant 0 : i32
      %dma_start3A_15 = arith.constant 0 : i32
      %dma_start3A_16 = tpu.memref_slice %arg4[%add3A, %dma_start3A_14, %dma_start3A_15] : memref<32x125x80xi32, #tpu.memory_space<hbm>> -> memref<1x125x80xi32, #tpu.memory_space<hbm>>
      %dma_start3A_17 = tpu.memref_squeeze %dma_start3A_16 : memref<1x125x80xi32, #tpu.memory_space<hbm>> -> memref<125x80xi32, #tpu.memory_space<hbm>>
      tpu.enqueue_dma source(%dma_start3A_17 : memref<125x80xi32, #tpu.memory_space<hbm>>) target(%arg8 : memref<125x80xi32, #tpu.memory_space<vmem>>) target_semaphore(%run_scoped3A : memref<!tpu.dma_semaphore, #tpu.memory_space<semaphore_mem>>)
      %dma_wait3A = arith.constant 0 : i32
      %dma_wait3A_18 = arith.constant 0 : i32
      %dma_wait3A_19 = tpu.memref_slice %arg4[%add3A, %dma_wait3A, %dma_wait3A_18] : memref<32x125x80xi32, #tpu.memory_space<hbm>> -> memref<1x125x80xi32, #tpu.memory_space<hbm>>
      %dma_wait3A_20 = tpu.memref_squeeze %dma_wait3A_19 : memref<1x125x80xi32, #tpu.memory_space<hbm>> -> memref<125x80xi32, #tpu.memory_space<hbm>>
      %dma_wait3A_21 = arith.constant 0 : i32
      %dma_wait3A_22 = arith.constant 0 : i32
      %dma_wait3A_23 = tpu.memref_slice %arg4[%add3A, %dma_wait3A_21, %dma_wait3A_22] : memref<32x125x80xi32, #tpu.memory_space<hbm>> -> memref<1x125x80xi32, #tpu.memory_space<hbm>>
      %dma_wait3A_24 = tpu.memref_squeeze %dma_wait3A_23 : memref<1x125x80xi32, #tpu.memory_space<hbm>> -> memref<125x80xi32, #tpu.memory_space<hbm>>
      tpu.wait_dma2 semaphore(%run_scoped3A : memref<!tpu.dma_semaphore, #tpu.memory_space<semaphore_mem>>) src(%dma_wait3A_24 : memref<125x80xi32, #tpu.memory_space<hbm>>) dst(%arg8 : memref<125x80xi32, #tpu.memory_space<vmem>>)
      tpu.yield
    }) : () -> ()
    %barrier3A = arith.constant 0 : index
    tpu.barrier barrier_id(%barrier3A)
    %scan3A = arith.constant 0 : i32
    %scan3A_3 = arith.constant 0 : i32
    %scan3A_4 = arith.constant 125 : i32
    %scan3A_5 = arith.addi %scan3A_3, %scan3A_4 : i32
    %scan3A_6 = arith.constant 1 : i32
    scf.for %scan3A_11 = %scan3A_3 to %scan3A_5 step %scan3A_6  : i32 {
      %dma_start3A = arith.constant 0 : i32
      %dma_start3A_12 = tpu.memref_slice %arg7[%scan3A_11, %dma_start3A] : memref<125x80xi32, #tpu.memory_space<vmem>> -> memref<1x80xi32, #tpu.memory_space<vmem>>
      %dma_start3A_13 = tpu.memref_squeeze %dma_start3A_12 : memref<1x80xi32, #tpu.memory_space<vmem>> -> memref<80xi32, #tpu.memory_space<vmem>>
      %dma_start3A_14 = arith.constant 0 : i32
      %dma_start3A_15 = arith.constant 0 : i32
      %dma_start3A_16 = tpu.memref_slice %arg2[%dma_start3A_14, %dma_start3A_15] : memref<10000x128xf32, #tpu.memory_space<hbm>> -> memref<10000x128xf32, #tpu.memory_space<hbm>>
      tpu.enqueue_indirect_dma source(%dma_start3A_16 : memref<10000x128xf32, #tpu.memory_space<hbm>>) target(%arg9 : memref<80x128xf32, #tpu.memory_space<vmem>>) offsets(%dma_start3A_13 : memref<80xi32, #tpu.memory_space<vmem>>) semaphore(%arg11 : memref<!tpu.dma_semaphore, #tpu.memory_space<semaphore_mem>>)
      %dma_wait3A = arith.constant 0 : i32
      %dma_wait3A_17 = tpu.memref_slice %arg7[%scan3A_11, %dma_wait3A] : memref<125x80xi32, #tpu.memory_space<vmem>> -> memref<1x80xi32, #tpu.memory_space<vmem>>
      %dma_wait3A_18 = tpu.memref_squeeze %dma_wait3A_17 : memref<1x80xi32, #tpu.memory_space<vmem>> -> memref<80xi32, #tpu.memory_space<vmem>>
      %dma_wait3A_19 = arith.constant 0 : i32
      %dma_wait3A_20 = arith.constant 0 : i32
      %dma_wait3A_21 = tpu.memref_slice %arg2[%dma_wait3A_19, %dma_wait3A_20] : memref<10000x128xf32, #tpu.memory_space<hbm>> -> memref<10000x128xf32, #tpu.memory_space<hbm>>
      tpu.wait_indirect_dma semaphore(%arg11 : memref<!tpu.dma_semaphore, #tpu.memory_space<semaphore_mem>>) src(%dma_wait3A_21 : memref<10000x128xf32, #tpu.memory_space<hbm>>) dst(%arg9 : memref<80x128xf32, #tpu.memory_space<vmem>>)
      "tpu.region"() ({
        %run_scoped3A = tpu.sem_alloc : memref<!tpu.dma_semaphore, #tpu.memory_space<semaphore_mem>>
        %dma_start3A_22 = arith.constant 0 : i32
        %dma_start3A_23 = tpu.memref_slice %arg8[%scan3A_11, %dma_start3A_22] : memref<125x80xi32, #tpu.memory_space<vmem>> -> memref<1x80xi32, #tpu.memory_space<vmem>>
        %dma_start3A_24 = tpu.memref_squeeze %dma_start3A_23 : memref<1x80xi32, #tpu.memory_space<vmem>> -> memref<80xi32, #tpu.memory_space<vmem>>
        %dma_start3A_25 = arith.constant 0 : i32
        %dma_start3A_26 = arith.constant 0 : i32
        %dma_start3A_27 = tpu.memref_slice %arg10[%dma_start3A_25, %dma_start3A_26] : memref<10000x128xf32, #tpu.memory_space<vmem_shared>> -> memref<10000x128xf32, #tpu.memory_space<vmem_shared>>
        tpu.enqueue_indirect_dma source(%arg9 : memref<80x128xf32, #tpu.memory_space<vmem>>) target(%dma_start3A_27 : memref<10000x128xf32, #tpu.memory_space<vmem_shared>>) offsets(%dma_start3A_24 : memref<80xi32, #tpu.memory_space<vmem>>) semaphore(%run_scoped3A : memref<!tpu.dma_semaphore, #tpu.memory_space<semaphore_mem>>) {add = true}
        %dma_wait3A_28 = arith.constant 0 : i32
        %dma_wait3A_29 = tpu.memref_slice %arg8[%scan3A_11, %dma_wait3A_28] : memref<125x80xi32, #tpu.memory_space<vmem>> -> memref<1x80xi32, #tpu.memory_space<vmem>>
        %dma_wait3A_30 = tpu.memref_squeeze %dma_wait3A_29 : memref<1x80xi32, #tpu.memory_space<vmem>> -> memref<80xi32, #tpu.memory_space<vmem>>
        %dma_wait3A_31 = arith.constant 0 : i32
        %dma_wait3A_32 = arith.constant 0 : i32
        %dma_wait3A_33 = tpu.memref_slice %arg10[%dma_wait3A_31, %dma_wait3A_32] : memref<10000x128xf32, #tpu.memory_space<vmem_shared>> -> memref<10000x128xf32, #tpu.memory_space<vmem_shared>>
        tpu.wait_indirect_dma semaphore(%run_scoped3A : memref<!tpu.dma_semaphore, #tpu.memory_space<semaphore_mem>>) src(%arg9 : memref<80x128xf32, #tpu.memory_space<vmem>>) dst(%dma_wait3A_33 : memref<10000x128xf32, #tpu.memory_space<vmem_shared>>)
        tpu.yield
      }) : () -> ()
    }
    %scan3A_7 = arith.constant 125 : i32
    %barrier3A_8 = arith.constant 0 : index
    tpu.barrier barrier_id(%barrier3A_8)
    %mul3A_9 = arith.constant 625 : i32
    %mul3A_10 = arith.muli %arg1, %mul3A_9 : i32
    "tpu.region"() ({
      %run_scoped3A = tpu.sem_alloc : memref<!tpu.dma_semaphore, #tpu.memory_space<semaphore_mem>>
      %dma_start3A = arith.constant 0 : i32
      %dma_start3A_11 = arith.constant 0 : i32
      %dma_start3A_12 = tpu.memref_slice %arg6[%arg0, %arg1, %dma_start3A, %dma_start3A_11] : memref<2x16x625x128xf32, #tpu.memory_space<hbm>> -> memref<1x1x625x128xf32, #tpu.memory_space<hbm>>
      %dma_start3A_13 = tpu.memref_squeeze %dma_start3A_12 : memref<1x1x625x128xf32, #tpu.memory_space<hbm>> -> memref<625x128xf32, #tpu.memory_space<hbm>>
      %dma_start3A_14 = arith.constant 0 : i32
      %dma_start3A_15 = tpu.memref_slice %arg10[%mul3A_10, %dma_start3A_14] : memref<10000x128xf32, #tpu.memory_space<vmem_shared>> -> memref<625x128xf32, #tpu.memory_space<vmem_shared>>
      tpu.enqueue_dma source(%dma_start3A_15 : memref<625x128xf32, #tpu.memory_space<vmem_shared>>) target(%dma_start3A_13 : memref<625x128xf32, #tpu.memory_space<hbm>>) target_semaphore(%run_scoped3A : memref<!tpu.dma_semaphore, #tpu.memory_space<semaphore_mem>>)
      %dma_wait3A = arith.constant 0 : i32
      %dma_wait3A_16 = arith.constant 0 : i32
      %dma_wait3A_17 = tpu.memref_slice %arg6[%arg0, %arg1, %dma_wait3A, %dma_wait3A_16] : memref<2x16x625x128xf32, #tpu.memory_space<hbm>> -> memref<1x1x625x128xf32, #tpu.memory_space<hbm>>
      %dma_wait3A_18 = tpu.memref_squeeze %dma_wait3A_17 : memref<1x1x625x128xf32, #tpu.memory_space<hbm>> -> memref<625x128xf32, #tpu.memory_space<hbm>>
      %dma_wait3A_19 = arith.constant 0 : i32
      %dma_wait3A_20 = tpu.memref_slice %arg10[%mul3A_10, %dma_wait3A_19] : memref<10000x128xf32, #tpu.memory_space<vmem_shared>> -> memref<625x128xf32, #tpu.memory_space<vmem_shared>>
      tpu.wait_dma2 semaphore(%run_scoped3A : memref<!tpu.dma_semaphore, #tpu.memory_space<semaphore_mem>>) src(%dma_wait3A_20 : memref<625x128xf32, #tpu.memory_space<vmem_shared>>) dst(%dma_wait3A_18 : memref<625x128xf32, #tpu.memory_space<hbm>>)
      tpu.yield
    }) : () -> ()
    return
  }
}

#map = affine_map<(d0, d1) -> (0, 0)>
#map1 = affine_map<(d0, d1) -> (0, 0, 0)>
#map2 = affine_map<(d0, d1) -> (0, 0, 0, 0)>
module attributes {stable_mosaic.version = 14 : i64} {
  func.func @agg(%arg0: i32, %arg1: i32, %arg2: memref<10000x128xf32, #tpu.memory_space<hbm>>, %arg3: memref<32x125x80xi32, #tpu.memory_space<hbm>>, %arg4: memref<32x125x80xi32, #tpu.memory_space<hbm>>, %arg5: memref<625x128xf32, #tpu.memory_space<hbm>>, %arg6: memref<2x16x625x128xf32, #tpu.memory_space<hbm>>, %arg7: memref<125x80xi32, #tpu.memory_space<vmem>>, %arg8: memref<125x80xi32, #tpu.memory_space<vmem>>, %arg9: memref<80x128xf32, #tpu.memory_space<vmem>>, %arg10: memref<10000x128xf32, #tpu.memory_space<vmem_shared>>, %arg11: memref<!tpu.dma_semaphore, #tpu.memory_space<semaphore_mem>>) attributes {dimension_semantics = [#tpu.dimension_semantics<core_parallel>, #tpu.dimension_semantics<subcore_parallel>], iteration_bounds = array<i64: 2, 16>, scalar_prefetch = 0 : i64, scratch_operands = 5 : i64, tpu.core_type = #tpu.core_type<sc_vector_subcore>, window_params = [{transform_indices = #map}, {transform_indices = #map1}, {transform_indices = #map1}, {transform_indices = #map}, {transform_indices = #map2}]} {
    %mul3A = arith.constant 16 : i32
    %mul3A_0 = arith.muli %arg0, %mul3A : i32
    %add3A = arith.addi %mul3A_0, %arg1 : i32
    %mul3A_1 = arith.constant 625 : i32
    %mul3A_2 = arith.muli %arg1, %mul3A_1 : i32
    "tpu.region"() ({
      %run_scoped3A = tpu.sem_alloc : memref<!tpu.dma_semaphore, #tpu.memory_space<semaphore_mem>>
      %dma_start3A = arith.constant 0 : i32
      %dma_start3A_11 = tpu.memref_slice %arg10[%mul3A_2, %dma_start3A] : memref<10000x128xf32, #tpu.memory_space<vmem_shared>> -> memref<625x128xf32, #tpu.memory_space<vmem_shared>>
      tpu.enqueue_dma source(%arg5 : memref<625x128xf32, #tpu.memory_space<hbm>>) target(%dma_start3A_11 : memref<625x128xf32, #tpu.memory_space<vmem_shared>>) target_semaphore(%run_scoped3A : memref<!tpu.dma_semaphore, #tpu.memory_space<semaphore_mem>>)
      %dma_wait3A = arith.constant 0 : i32
      %dma_wait3A_12 = tpu.memref_slice %arg10[%mul3A_2, %dma_wait3A] : memref<10000x128xf32, #tpu.memory_space<vmem_shared>> -> memref<625x128xf32, #tpu.memory_space<vmem_shared>>
      tpu.wait_dma2 semaphore(%run_scoped3A : memref<!tpu.dma_semaphore, #tpu.memory_space<semaphore_mem>>) src(%arg5 : memref<625x128xf32, #tpu.memory_space<hbm>>) dst(%dma_wait3A_12 : memref<625x128xf32, #tpu.memory_space<vmem_shared>>)
      tpu.yield
    }) : () -> ()
    "tpu.region"() ({
      %run_scoped3A = tpu.sem_alloc : memref<!tpu.dma_semaphore, #tpu.memory_space<semaphore_mem>>
      %dma_start3A = arith.constant 0 : i32
      %dma_start3A_11 = arith.constant 0 : i32
      %dma_start3A_12 = tpu.memref_slice %arg3[%add3A, %dma_start3A, %dma_start3A_11] : memref<32x125x80xi32, #tpu.memory_space<hbm>> -> memref<1x125x80xi32, #tpu.memory_space<hbm>>
      %dma_start3A_13 = tpu.memref_squeeze %dma_start3A_12 : memref<1x125x80xi32, #tpu.memory_space<hbm>> -> memref<125x80xi32, #tpu.memory_space<hbm>>
      %dma_start3A_14 = arith.constant 0 : i32
      %dma_start3A_15 = arith.constant 0 : i32
      %dma_start3A_16 = tpu.memref_slice %arg3[%add3A, %dma_start3A_14, %dma_start3A_15] : memref<32x125x80xi32, #tpu.memory_space<hbm>> -> memref<1x125x80xi32, #tpu.memory_space<hbm>>
      %dma_start3A_17 = tpu.memref_squeeze %dma_start3A_16 : memref<1x125x80xi32, #tpu.memory_space<hbm>> -> memref<125x80xi32, #tpu.memory_space<hbm>>
      tpu.enqueue_dma source(%dma_start3A_17 : memref<125x80xi32, #tpu.memory_space<hbm>>) target(%arg7 : memref<125x80xi32, #tpu.memory_space<vmem>>) target_semaphore(%run_scoped3A : memref<!tpu.dma_semaphore, #tpu.memory_space<semaphore_mem>>)
      %dma_wait3A = arith.constant 0 : i32
      %dma_wait3A_18 = arith.constant 0 : i32
      %dma_wait3A_19 = tpu.memref_slice %arg3[%add3A, %dma_wait3A, %dma_wait3A_18] : memref<32x125x80xi32, #tpu.memory_space<hbm>> -> memref<1x125x80xi32, #tpu.memory_space<hbm>>
      %dma_wait3A_20 = tpu.memref_squeeze %dma_wait3A_19 : memref<1x125x80xi32, #tpu.memory_space<hbm>> -> memref<125x80xi32, #tpu.memory_space<hbm>>
      %dma_wait3A_21 = arith.constant 0 : i32
      %dma_wait3A_22 = arith.constant 0 : i32
      %dma_wait3A_23 = tpu.memref_slice %arg3[%add3A, %dma_wait3A_21, %dma_wait3A_22] : memref<32x125x80xi32, #tpu.memory_space<hbm>> -> memref<1x125x80xi32, #tpu.memory_space<hbm>>
      %dma_wait3A_24 = tpu.memref_squeeze %dma_wait3A_23 : memref<1x125x80xi32, #tpu.memory_space<hbm>> -> memref<125x80xi32, #tpu.memory_space<hbm>>
      tpu.wait_dma2 semaphore(%run_scoped3A : memref<!tpu.dma_semaphore, #tpu.memory_space<semaphore_mem>>) src(%dma_wait3A_24 : memref<125x80xi32, #tpu.memory_space<hbm>>) dst(%arg7 : memref<125x80xi32, #tpu.memory_space<vmem>>)
      tpu.yield
    }) : () -> ()
    "tpu.region"() ({
      %run_scoped3A = tpu.sem_alloc : memref<!tpu.dma_semaphore, #tpu.memory_space<semaphore_mem>>
      %dma_start3A = arith.constant 0 : i32
      %dma_start3A_11 = arith.constant 0 : i32
      %dma_start3A_12 = tpu.memref_slice %arg4[%add3A, %dma_start3A, %dma_start3A_11] : memref<32x125x80xi32, #tpu.memory_space<hbm>> -> memref<1x125x80xi32, #tpu.memory_space<hbm>>
      %dma_start3A_13 = tpu.memref_squeeze %dma_start3A_12 : memref<1x125x80xi32, #tpu.memory_space<hbm>> -> memref<125x80xi32, #tpu.memory_space<hbm>>
      %dma_start3A_14 = arith.constant 0 : i32
      %dma_start3A_15 = arith.constant 0 : i32
      %dma_start3A_16 = tpu.memref_slice %arg4[%add3A, %dma_start3A_14, %dma_start3A_15] : memref<32x125x80xi32, #tpu.memory_space<hbm>> -> memref<1x125x80xi32, #tpu.memory_space<hbm>>
      %dma_start3A_17 = tpu.memref_squeeze %dma_start3A_16 : memref<1x125x80xi32, #tpu.memory_space<hbm>> -> memref<125x80xi32, #tpu.memory_space<hbm>>
      tpu.enqueue_dma source(%dma_start3A_17 : memref<125x80xi32, #tpu.memory_space<hbm>>) target(%arg8 : memref<125x80xi32, #tpu.memory_space<vmem>>) target_semaphore(%run_scoped3A : memref<!tpu.dma_semaphore, #tpu.memory_space<semaphore_mem>>)
      %dma_wait3A = arith.constant 0 : i32
      %dma_wait3A_18 = arith.constant 0 : i32
      %dma_wait3A_19 = tpu.memref_slice %arg4[%add3A, %dma_wait3A, %dma_wait3A_18] : memref<32x125x80xi32, #tpu.memory_space<hbm>> -> memref<1x125x80xi32, #tpu.memory_space<hbm>>
      %dma_wait3A_20 = tpu.memref_squeeze %dma_wait3A_19 : memref<1x125x80xi32, #tpu.memory_space<hbm>> -> memref<125x80xi32, #tpu.memory_space<hbm>>
      %dma_wait3A_21 = arith.constant 0 : i32
      %dma_wait3A_22 = arith.constant 0 : i32
      %dma_wait3A_23 = tpu.memref_slice %arg4[%add3A, %dma_wait3A_21, %dma_wait3A_22] : memref<32x125x80xi32, #tpu.memory_space<hbm>> -> memref<1x125x80xi32, #tpu.memory_space<hbm>>
      %dma_wait3A_24 = tpu.memref_squeeze %dma_wait3A_23 : memref<1x125x80xi32, #tpu.memory_space<hbm>> -> memref<125x80xi32, #tpu.memory_space<hbm>>
      tpu.wait_dma2 semaphore(%run_scoped3A : memref<!tpu.dma_semaphore, #tpu.memory_space<semaphore_mem>>) src(%dma_wait3A_24 : memref<125x80xi32, #tpu.memory_space<hbm>>) dst(%arg8 : memref<125x80xi32, #tpu.memory_space<vmem>>)
      tpu.yield
    }) : () -> ()
    %barrier3A = arith.constant 0 : index
    tpu.barrier barrier_id(%barrier3A)
    %scan3A = arith.constant 0 : i32
    %scan3A_3 = arith.constant 0 : i32
    %scan3A_4 = arith.constant 125 : i32
    %scan3A_5 = arith.addi %scan3A_3, %scan3A_4 : i32
    %scan3A_6 = arith.constant 1 : i32
    scf.for %scan3A_11 = %scan3A_3 to %scan3A_5 step %scan3A_6  : i32 {
      %dma_start3A = arith.constant 0 : i32
      %dma_start3A_12 = tpu.memref_slice %arg7[%scan3A_11, %dma_start3A] : memref<125x80xi32, #tpu.memory_space<vmem>> -> memref<1x80xi32, #tpu.memory_space<vmem>>
      %dma_start3A_13 = tpu.memref_squeeze %dma_start3A_12 : memref<1x80xi32, #tpu.memory_space<vmem>> -> memref<80xi32, #tpu.memory_space<vmem>>
      %dma_start3A_14 = arith.constant 0 : i32
      %dma_start3A_15 = arith.constant 0 : i32
      %dma_start3A_16 = tpu.memref_slice %arg2[%dma_start3A_14, %dma_start3A_15] : memref<10000x128xf32, #tpu.memory_space<hbm>> -> memref<10000x128xf32, #tpu.memory_space<hbm>>
      tpu.enqueue_indirect_dma source(%dma_start3A_16 : memref<10000x128xf32, #tpu.memory_space<hbm>>) target(%arg9 : memref<80x128xf32, #tpu.memory_space<vmem>>) offsets(%dma_start3A_13 : memref<80xi32, #tpu.memory_space<vmem>>) semaphore(%arg11 : memref<!tpu.dma_semaphore, #tpu.memory_space<semaphore_mem>>)
      %dma_wait3A = arith.constant 0 : i32
      %dma_wait3A_17 = tpu.memref_slice %arg7[%scan3A_11, %dma_wait3A] : memref<125x80xi32, #tpu.memory_space<vmem>> -> memref<1x80xi32, #tpu.memory_space<vmem>>
      %dma_wait3A_18 = tpu.memref_squeeze %dma_wait3A_17 : memref<1x80xi32, #tpu.memory_space<vmem>> -> memref<80xi32, #tpu.memory_space<vmem>>
      %dma_wait3A_19 = arith.constant 0 : i32
      %dma_wait3A_20 = arith.constant 0 : i32
      %dma_wait3A_21 = tpu.memref_slice %arg2[%dma_wait3A_19, %dma_wait3A_20] : memref<10000x128xf32, #tpu.memory_space<hbm>> -> memref<10000x128xf32, #tpu.memory_space<hbm>>
      tpu.wait_indirect_dma semaphore(%arg11 : memref<!tpu.dma_semaphore, #tpu.memory_space<semaphore_mem>>) src(%dma_wait3A_21 : memref<10000x128xf32, #tpu.memory_space<hbm>>) dst(%arg9 : memref<80x128xf32, #tpu.memory_space<vmem>>)
      "tpu.region"() ({
        %run_scoped3A = tpu.sem_alloc : memref<!tpu.dma_semaphore, #tpu.memory_space<semaphore_mem>>
        %dma_start3A_22 = arith.constant 0 : i32
        %dma_start3A_23 = tpu.memref_slice %arg8[%scan3A_11, %dma_start3A_22] : memref<125x80xi32, #tpu.memory_space<vmem>> -> memref<1x80xi32, #tpu.memory_space<vmem>>
        %dma_start3A_24 = tpu.memref_squeeze %dma_start3A_23 : memref<1x80xi32, #tpu.memory_space<vmem>> -> memref<80xi32, #tpu.memory_space<vmem>>
        %dma_start3A_25 = arith.constant 0 : i32
        %dma_start3A_26 = arith.constant 0 : i32
        %dma_start3A_27 = tpu.memref_slice %arg10[%dma_start3A_25, %dma_start3A_26] : memref<10000x128xf32, #tpu.memory_space<vmem_shared>> -> memref<10000x128xf32, #tpu.memory_space<vmem_shared>>
        tpu.enqueue_indirect_dma source(%arg9 : memref<80x128xf32, #tpu.memory_space<vmem>>) target(%dma_start3A_27 : memref<10000x128xf32, #tpu.memory_space<vmem_shared>>) offsets(%dma_start3A_24 : memref<80xi32, #tpu.memory_space<vmem>>) semaphore(%run_scoped3A : memref<!tpu.dma_semaphore, #tpu.memory_space<semaphore_mem>>) {add = true}
        %dma_wait3A_28 = arith.constant 0 : i32
        %dma_wait3A_29 = tpu.memref_slice %arg8[%scan3A_11, %dma_wait3A_28] : memref<125x80xi32, #tpu.memory_space<vmem>> -> memref<1x80xi32, #tpu.memory_space<vmem>>
        %dma_wait3A_30 = tpu.memref_squeeze %dma_wait3A_29 : memref<1x80xi32, #tpu.memory_space<vmem>> -> memref<80xi32, #tpu.memory_space<vmem>>
        %dma_wait3A_31 = arith.constant 0 : i32
        %dma_wait3A_32 = arith.constant 0 : i32
        %dma_wait3A_33 = tpu.memref_slice %arg10[%dma_wait3A_31, %dma_wait3A_32] : memref<10000x128xf32, #tpu.memory_space<vmem_shared>> -> memref<10000x128xf32, #tpu.memory_space<vmem_shared>>
        tpu.wait_indirect_dma semaphore(%run_scoped3A : memref<!tpu.dma_semaphore, #tpu.memory_space<semaphore_mem>>) src(%arg9 : memref<80x128xf32, #tpu.memory_space<vmem>>) dst(%dma_wait3A_33 : memref<10000x128xf32, #tpu.memory_space<vmem_shared>>)
        tpu.yield
      }) : () -> ()
    }
    %scan3A_7 = arith.constant 125 : i32
    %barrier3A_8 = arith.constant 0 : index
    tpu.barrier barrier_id(%barrier3A_8)
    %mul3A_9 = arith.constant 625 : i32
    %mul3A_10 = arith.muli %arg1, %mul3A_9 : i32
    "tpu.region"() ({
      %run_scoped3A = tpu.sem_alloc : memref<!tpu.dma_semaphore, #tpu.memory_space<semaphore_mem>>
      %dma_start3A = arith.constant 0 : i32
      %dma_start3A_11 = arith.constant 0 : i32
      %dma_start3A_12 = tpu.memref_slice %arg6[%arg0, %arg1, %dma_start3A, %dma_start3A_11] : memref<2x16x625x128xf32, #tpu.memory_space<hbm>> -> memref<1x1x625x128xf32, #tpu.memory_space<hbm>>
      %dma_start3A_13 = tpu.memref_squeeze %dma_start3A_12 : memref<1x1x625x128xf32, #tpu.memory_space<hbm>> -> memref<625x128xf32, #tpu.memory_space<hbm>>
      %dma_start3A_14 = arith.constant 0 : i32
      %dma_start3A_15 = tpu.memref_slice %arg10[%mul3A_10, %dma_start3A_14] : memref<10000x128xf32, #tpu.memory_space<vmem_shared>> -> memref<625x128xf32, #tpu.memory_space<vmem_shared>>
      tpu.enqueue_dma source(%dma_start3A_15 : memref<625x128xf32, #tpu.memory_space<vmem_shared>>) target(%dma_start3A_13 : memref<625x128xf32, #tpu.memory_space<hbm>>) target_semaphore(%run_scoped3A : memref<!tpu.dma_semaphore, #tpu.memory_space<semaphore_mem>>)
      %dma_wait3A = arith.constant 0 : i32
      %dma_wait3A_16 = arith.constant 0 : i32
      %dma_wait3A_17 = tpu.memref_slice %arg6[%arg0, %arg1, %dma_wait3A, %dma_wait3A_16] : memref<2x16x625x128xf32, #tpu.memory_space<hbm>> -> memref<1x1x625x128xf32, #tpu.memory_space<hbm>>
      %dma_wait3A_18 = tpu.memref_squeeze %dma_wait3A_17 : memref<1x1x625x128xf32, #tpu.memory_space<hbm>> -> memref<625x128xf32, #tpu.memory_space<hbm>>
      %dma_wait3A_19 = arith.constant 0 : i32
      %dma_wait3A_20 = tpu.memref_slice %arg10[%mul3A_10, %dma_wait3A_19] : memref<10000x128xf32, #tpu.memory_space<vmem_shared>> -> memref<625x128xf32, #tpu.memory_space<vmem_shared>>
      tpu.wait_dma2 semaphore(%run_scoped3A : memref<!tpu.dma_semaphore, #tpu.memory_space<semaphore_mem>>) src(%dma_wait3A_20 : memref<625x128xf32, #tpu.memory_space<vmem_shared>>) dst(%dma_wait3A_18 : memref<625x128xf32, #tpu.memory_space<hbm>>)
      tpu.yield
    }) : () -> ()
    return
  }
}

#map = affine_map<(d0, d1) -> (0, 0)>
#map1 = affine_map<(d0, d1) -> (0, 0, 0)>
#map2 = affine_map<(d0, d1) -> (0, 0, 0, 0)>
module attributes {stable_mosaic.version = 14 : i64} {
  func.func @agg(%arg0: i32, %arg1: i32, %arg2: memref<10000x128xf32, #tpu.memory_space<hbm>>, %arg3: memref<32x125x80xi32, #tpu.memory_space<hbm>>, %arg4: memref<32x125x80xi32, #tpu.memory_space<hbm>>, %arg5: memref<625x128xf32, #tpu.memory_space<hbm>>, %arg6: memref<2x16x625x128xf32, #tpu.memory_space<hbm>>, %arg7: memref<125x80xi32, #tpu.memory_space<vmem>>, %arg8: memref<125x80xi32, #tpu.memory_space<vmem>>, %arg9: memref<80x128xf32, #tpu.memory_space<vmem>>, %arg10: memref<10000x128xf32, #tpu.memory_space<vmem_shared>>, %arg11: memref<!tpu.dma_semaphore, #tpu.memory_space<semaphore_mem>>) attributes {dimension_semantics = [#tpu.dimension_semantics<core_parallel>, #tpu.dimension_semantics<subcore_parallel>], iteration_bounds = array<i64: 2, 16>, scalar_prefetch = 0 : i64, scratch_operands = 5 : i64, tpu.core_type = #tpu.core_type<sc_vector_subcore>, window_params = [{transform_indices = #map}, {transform_indices = #map1}, {transform_indices = #map1}, {transform_indices = #map}, {transform_indices = #map2}]} {
    %mul3A = arith.constant 16 : i32
    %mul3A_0 = arith.muli %arg0, %mul3A : i32
    %add3A = arith.addi %mul3A_0, %arg1 : i32
    %mul3A_1 = arith.constant 625 : i32
    %mul3A_2 = arith.muli %arg1, %mul3A_1 : i32
    "tpu.region"() ({
      %run_scoped3A = tpu.sem_alloc : memref<!tpu.dma_semaphore, #tpu.memory_space<semaphore_mem>>
      %dma_start3A = arith.constant 0 : i32
      %dma_start3A_11 = tpu.memref_slice %arg10[%mul3A_2, %dma_start3A] : memref<10000x128xf32, #tpu.memory_space<vmem_shared>> -> memref<625x128xf32, #tpu.memory_space<vmem_shared>>
      tpu.enqueue_dma source(%arg5 : memref<625x128xf32, #tpu.memory_space<hbm>>) target(%dma_start3A_11 : memref<625x128xf32, #tpu.memory_space<vmem_shared>>) target_semaphore(%run_scoped3A : memref<!tpu.dma_semaphore, #tpu.memory_space<semaphore_mem>>)
      %dma_wait3A = arith.constant 0 : i32
      %dma_wait3A_12 = tpu.memref_slice %arg10[%mul3A_2, %dma_wait3A] : memref<10000x128xf32, #tpu.memory_space<vmem_shared>> -> memref<625x128xf32, #tpu.memory_space<vmem_shared>>
      tpu.wait_dma2 semaphore(%run_scoped3A : memref<!tpu.dma_semaphore, #tpu.memory_space<semaphore_mem>>) src(%arg5 : memref<625x128xf32, #tpu.memory_space<hbm>>) dst(%dma_wait3A_12 : memref<625x128xf32, #tpu.memory_space<vmem_shared>>)
      tpu.yield
    }) : () -> ()
    "tpu.region"() ({
      %run_scoped3A = tpu.sem_alloc : memref<!tpu.dma_semaphore, #tpu.memory_space<semaphore_mem>>
      %dma_start3A = arith.constant 0 : i32
      %dma_start3A_11 = arith.constant 0 : i32
      %dma_start3A_12 = tpu.memref_slice %arg3[%add3A, %dma_start3A, %dma_start3A_11] : memref<32x125x80xi32, #tpu.memory_space<hbm>> -> memref<1x125x80xi32, #tpu.memory_space<hbm>>
      %dma_start3A_13 = tpu.memref_squeeze %dma_start3A_12 : memref<1x125x80xi32, #tpu.memory_space<hbm>> -> memref<125x80xi32, #tpu.memory_space<hbm>>
      %dma_start3A_14 = arith.constant 0 : i32
      %dma_start3A_15 = arith.constant 0 : i32
      %dma_start3A_16 = tpu.memref_slice %arg3[%add3A, %dma_start3A_14, %dma_start3A_15] : memref<32x125x80xi32, #tpu.memory_space<hbm>> -> memref<1x125x80xi32, #tpu.memory_space<hbm>>
      %dma_start3A_17 = tpu.memref_squeeze %dma_start3A_16 : memref<1x125x80xi32, #tpu.memory_space<hbm>> -> memref<125x80xi32, #tpu.memory_space<hbm>>
      tpu.enqueue_dma source(%dma_start3A_17 : memref<125x80xi32, #tpu.memory_space<hbm>>) target(%arg7 : memref<125x80xi32, #tpu.memory_space<vmem>>) target_semaphore(%run_scoped3A : memref<!tpu.dma_semaphore, #tpu.memory_space<semaphore_mem>>)
      %dma_wait3A = arith.constant 0 : i32
      %dma_wait3A_18 = arith.constant 0 : i32
      %dma_wait3A_19 = tpu.memref_slice %arg3[%add3A, %dma_wait3A, %dma_wait3A_18] : memref<32x125x80xi32, #tpu.memory_space<hbm>> -> memref<1x125x80xi32, #tpu.memory_space<hbm>>
      %dma_wait3A_20 = tpu.memref_squeeze %dma_wait3A_19 : memref<1x125x80xi32, #tpu.memory_space<hbm>> -> memref<125x80xi32, #tpu.memory_space<hbm>>
      %dma_wait3A_21 = arith.constant 0 : i32
      %dma_wait3A_22 = arith.constant 0 : i32
      %dma_wait3A_23 = tpu.memref_slice %arg3[%add3A, %dma_wait3A_21, %dma_wait3A_22] : memref<32x125x80xi32, #tpu.memory_space<hbm>> -> memref<1x125x80xi32, #tpu.memory_space<hbm>>
      %dma_wait3A_24 = tpu.memref_squeeze %dma_wait3A_23 : memref<1x125x80xi32, #tpu.memory_space<hbm>> -> memref<125x80xi32, #tpu.memory_space<hbm>>
      tpu.wait_dma2 semaphore(%run_scoped3A : memref<!tpu.dma_semaphore, #tpu.memory_space<semaphore_mem>>) src(%dma_wait3A_24 : memref<125x80xi32, #tpu.memory_space<hbm>>) dst(%arg7 : memref<125x80xi32, #tpu.memory_space<vmem>>)
      tpu.yield
    }) : () -> ()
    "tpu.region"() ({
      %run_scoped3A = tpu.sem_alloc : memref<!tpu.dma_semaphore, #tpu.memory_space<semaphore_mem>>
      %dma_start3A = arith.constant 0 : i32
      %dma_start3A_11 = arith.constant 0 : i32
      %dma_start3A_12 = tpu.memref_slice %arg4[%add3A, %dma_start3A, %dma_start3A_11] : memref<32x125x80xi32, #tpu.memory_space<hbm>> -> memref<1x125x80xi32, #tpu.memory_space<hbm>>
      %dma_start3A_13 = tpu.memref_squeeze %dma_start3A_12 : memref<1x125x80xi32, #tpu.memory_space<hbm>> -> memref<125x80xi32, #tpu.memory_space<hbm>>
      %dma_start3A_14 = arith.constant 0 : i32
      %dma_start3A_15 = arith.constant 0 : i32
      %dma_start3A_16 = tpu.memref_slice %arg4[%add3A, %dma_start3A_14, %dma_start3A_15] : memref<32x125x80xi32, #tpu.memory_space<hbm>> -> memref<1x125x80xi32, #tpu.memory_space<hbm>>
      %dma_start3A_17 = tpu.memref_squeeze %dma_start3A_16 : memref<1x125x80xi32, #tpu.memory_space<hbm>> -> memref<125x80xi32, #tpu.memory_space<hbm>>
      tpu.enqueue_dma source(%dma_start3A_17 : memref<125x80xi32, #tpu.memory_space<hbm>>) target(%arg8 : memref<125x80xi32, #tpu.memory_space<vmem>>) target_semaphore(%run_scoped3A : memref<!tpu.dma_semaphore, #tpu.memory_space<semaphore_mem>>)
      %dma_wait3A = arith.constant 0 : i32
      %dma_wait3A_18 = arith.constant 0 : i32
      %dma_wait3A_19 = tpu.memref_slice %arg4[%add3A, %dma_wait3A, %dma_wait3A_18] : memref<32x125x80xi32, #tpu.memory_space<hbm>> -> memref<1x125x80xi32, #tpu.memory_space<hbm>>
      %dma_wait3A_20 = tpu.memref_squeeze %dma_wait3A_19 : memref<1x125x80xi32, #tpu.memory_space<hbm>> -> memref<125x80xi32, #tpu.memory_space<hbm>>
      %dma_wait3A_21 = arith.constant 0 : i32
      %dma_wait3A_22 = arith.constant 0 : i32
      %dma_wait3A_23 = tpu.memref_slice %arg4[%add3A, %dma_wait3A_21, %dma_wait3A_22] : memref<32x125x80xi32, #tpu.memory_space<hbm>> -> memref<1x125x80xi32, #tpu.memory_space<hbm>>
      %dma_wait3A_24 = tpu.memref_squeeze %dma_wait3A_23 : memref<1x125x80xi32, #tpu.memory_space<hbm>> -> memref<125x80xi32, #tpu.memory_space<hbm>>
      tpu.wait_dma2 semaphore(%run_scoped3A : memref<!tpu.dma_semaphore, #tpu.memory_space<semaphore_mem>>) src(%dma_wait3A_24 : memref<125x80xi32, #tpu.memory_space<hbm>>) dst(%arg8 : memref<125x80xi32, #tpu.memory_space<vmem>>)
      tpu.yield
    }) : () -> ()
    %barrier3A = arith.constant 0 : index
    tpu.barrier barrier_id(%barrier3A)
    %scan3A = arith.constant 0 : i32
    %scan3A_3 = arith.constant 0 : i32
    %scan3A_4 = arith.constant 125 : i32
    %scan3A_5 = arith.addi %scan3A_3, %scan3A_4 : i32
    %scan3A_6 = arith.constant 1 : i32
    scf.for %scan3A_11 = %scan3A_3 to %scan3A_5 step %scan3A_6  : i32 {
      %dma_start3A = arith.constant 0 : i32
      %dma_start3A_12 = tpu.memref_slice %arg7[%scan3A_11, %dma_start3A] : memref<125x80xi32, #tpu.memory_space<vmem>> -> memref<1x80xi32, #tpu.memory_space<vmem>>
      %dma_start3A_13 = tpu.memref_squeeze %dma_start3A_12 : memref<1x80xi32, #tpu.memory_space<vmem>> -> memref<80xi32, #tpu.memory_space<vmem>>
      %dma_start3A_14 = arith.constant 0 : i32
      %dma_start3A_15 = arith.constant 0 : i32
      %dma_start3A_16 = tpu.memref_slice %arg2[%dma_start3A_14, %dma_start3A_15] : memref<10000x128xf32, #tpu.memory_space<hbm>> -> memref<10000x128xf32, #tpu.memory_space<hbm>>
      tpu.enqueue_indirect_dma source(%dma_start3A_16 : memref<10000x128xf32, #tpu.memory_space<hbm>>) target(%arg9 : memref<80x128xf32, #tpu.memory_space<vmem>>) offsets(%dma_start3A_13 : memref<80xi32, #tpu.memory_space<vmem>>) semaphore(%arg11 : memref<!tpu.dma_semaphore, #tpu.memory_space<semaphore_mem>>)
      %dma_wait3A = arith.constant 0 : i32
      %dma_wait3A_17 = tpu.memref_slice %arg7[%scan3A_11, %dma_wait3A] : memref<125x80xi32, #tpu.memory_space<vmem>> -> memref<1x80xi32, #tpu.memory_space<vmem>>
      %dma_wait3A_18 = tpu.memref_squeeze %dma_wait3A_17 : memref<1x80xi32, #tpu.memory_space<vmem>> -> memref<80xi32, #tpu.memory_space<vmem>>
      %dma_wait3A_19 = arith.constant 0 : i32
      %dma_wait3A_20 = arith.constant 0 : i32
      %dma_wait3A_21 = tpu.memref_slice %arg2[%dma_wait3A_19, %dma_wait3A_20] : memref<10000x128xf32, #tpu.memory_space<hbm>> -> memref<10000x128xf32, #tpu.memory_space<hbm>>
      tpu.wait_indirect_dma semaphore(%arg11 : memref<!tpu.dma_semaphore, #tpu.memory_space<semaphore_mem>>) src(%dma_wait3A_21 : memref<10000x128xf32, #tpu.memory_space<hbm>>) dst(%arg9 : memref<80x128xf32, #tpu.memory_space<vmem>>)
      "tpu.region"() ({
        %run_scoped3A = tpu.sem_alloc : memref<!tpu.dma_semaphore, #tpu.memory_space<semaphore_mem>>
        %dma_start3A_22 = arith.constant 0 : i32
        %dma_start3A_23 = tpu.memref_slice %arg8[%scan3A_11, %dma_start3A_22] : memref<125x80xi32, #tpu.memory_space<vmem>> -> memref<1x80xi32, #tpu.memory_space<vmem>>
        %dma_start3A_24 = tpu.memref_squeeze %dma_start3A_23 : memref<1x80xi32, #tpu.memory_space<vmem>> -> memref<80xi32, #tpu.memory_space<vmem>>
        %dma_start3A_25 = arith.constant 0 : i32
        %dma_start3A_26 = arith.constant 0 : i32
        %dma_start3A_27 = tpu.memref_slice %arg10[%dma_start3A_25, %dma_start3A_26] : memref<10000x128xf32, #tpu.memory_space<vmem_shared>> -> memref<10000x128xf32, #tpu.memory_space<vmem_shared>>
        tpu.enqueue_indirect_dma source(%arg9 : memref<80x128xf32, #tpu.memory_space<vmem>>) target(%dma_start3A_27 : memref<10000x128xf32, #tpu.memory_space<vmem_shared>>) offsets(%dma_start3A_24 : memref<80xi32, #tpu.memory_space<vmem>>) semaphore(%run_scoped3A : memref<!tpu.dma_semaphore, #tpu.memory_space<semaphore_mem>>) {add = true}
        %dma_wait3A_28 = arith.constant 0 : i32
        %dma_wait3A_29 = tpu.memref_slice %arg8[%scan3A_11, %dma_wait3A_28] : memref<125x80xi32, #tpu.memory_space<vmem>> -> memref<1x80xi32, #tpu.memory_space<vmem>>
        %dma_wait3A_30 = tpu.memref_squeeze %dma_wait3A_29 : memref<1x80xi32, #tpu.memory_space<vmem>> -> memref<80xi32, #tpu.memory_space<vmem>>
        %dma_wait3A_31 = arith.constant 0 : i32
        %dma_wait3A_32 = arith.constant 0 : i32
        %dma_wait3A_33 = tpu.memref_slice %arg10[%dma_wait3A_31, %dma_wait3A_32] : memref<10000x128xf32, #tpu.memory_space<vmem_shared>> -> memref<10000x128xf32, #tpu.memory_space<vmem_shared>>
        tpu.wait_indirect_dma semaphore(%run_scoped3A : memref<!tpu.dma_semaphore, #tpu.memory_space<semaphore_mem>>) src(%arg9 : memref<80x128xf32, #tpu.memory_space<vmem>>) dst(%dma_wait3A_33 : memref<10000x128xf32, #tpu.memory_space<vmem_shared>>)
        tpu.yield
      }) : () -> ()
    }
    %scan3A_7 = arith.constant 125 : i32
    %barrier3A_8 = arith.constant 0 : index
    tpu.barrier barrier_id(%barrier3A_8)
    %mul3A_9 = arith.constant 625 : i32
    %mul3A_10 = arith.muli %arg1, %mul3A_9 : i32
    "tpu.region"() ({
      %run_scoped3A = tpu.sem_alloc : memref<!tpu.dma_semaphore, #tpu.memory_space<semaphore_mem>>
      %dma_start3A = arith.constant 0 : i32
      %dma_start3A_11 = arith.constant 0 : i32
      %dma_start3A_12 = tpu.memref_slice %arg6[%arg0, %arg1, %dma_start3A, %dma_start3A_11] : memref<2x16x625x128xf32, #tpu.memory_space<hbm>> -> memref<1x1x625x128xf32, #tpu.memory_space<hbm>>
      %dma_start3A_13 = tpu.memref_squeeze %dma_start3A_12 : memref<1x1x625x128xf32, #tpu.memory_space<hbm>> -> memref<625x128xf32, #tpu.memory_space<hbm>>
      %dma_start3A_14 = arith.constant 0 : i32
      %dma_start3A_15 = tpu.memref_slice %arg10[%mul3A_10, %dma_start3A_14] : memref<10000x128xf32, #tpu.memory_space<vmem_shared>> -> memref<625x128xf32, #tpu.memory_space<vmem_shared>>
      tpu.enqueue_dma source(%dma_start3A_15 : memref<625x128xf32, #tpu.memory_space<vmem_shared>>) target(%dma_start3A_13 : memref<625x128xf32, #tpu.memory_space<hbm>>) target_semaphore(%run_scoped3A : memref<!tpu.dma_semaphore, #tpu.memory_space<semaphore_mem>>)
      %dma_wait3A = arith.constant 0 : i32
      %dma_wait3A_16 = arith.constant 0 : i32
      %dma_wait3A_17 = tpu.memref_slice %arg6[%arg0, %arg1, %dma_wait3A, %dma_wait3A_16] : memref<2x16x625x128xf32, #tpu.memory_space<hbm>> -> memref<1x1x625x128xf32, #tpu.memory_space<hbm>>
      %dma_wait3A_18 = tpu.memref_squeeze %dma_wait3A_17 : memref<1x1x625x128xf32, #tpu.memory_space<hbm>> -> memref<625x128xf32, #tpu.memory_space<hbm>>
      %dma_wait3A_19 = arith.constant 0 : i32
      %dma_wait3A_20 = tpu.memref_slice %arg10[%mul3A_10, %dma_wait3A_19] : memref<10000x128xf32, #tpu.memory_space<vmem_shared>> -> memref<625x128xf32, #tpu.memory_space<vmem_shared>>
      tpu.wait_dma2 semaphore(%run_scoped3A : memref<!tpu.dma_semaphore, #tpu.memory_space<semaphore_mem>>) src(%dma_wait3A_20 : memref<625x128xf32, #tpu.memory_space<vmem_shared>>) dst(%dma_wait3A_18 : memref<625x128xf32, #tpu.memory_space<hbm>>)
      tpu.yield
    }) : () -> ()
    return
  }
}

module attributes {stable_mosaic.version = 14 : i64} {
  func.func @_mm_body(%arg0: i32, %arg1: memref<2000x128xf32, #tpu.memory_space<vmem>>, %arg2: memref<128x128xf32, #tpu.memory_space<vmem>>, %arg3: memref<2000x128xf32, #tpu.memory_space<vmem>>) attributes {dimension_semantics = [#tpu.dimension_semantics<arbitrary>], iteration_bounds = array<i64: 5>, scalar_prefetch = 0 : i64, scratch_operands = 0 : i64, tpu.core_type = #tpu.core_type<tc>, window_params = [{transform_indices = @transform_0, window_bounds = array<i64: 2000, 128>}, {pipeline_mode = #tpu.pipeline_mode<synchronous>, transform_indices = @transform_1, window_bounds = array<i64: 128, 128>}, {transform_indices = @transform_2, window_bounds = array<i64: 2000, 128>}]} {
    %get3A = arith.constant 0 : index
    %get3A_0 = arith.constant 0 : index
    %get3A_1 = vector.load %arg1[%get3A, %get3A_0] : memref<2000x128xf32, #tpu.memory_space<vmem>>, vector<2000x128xf32>
    %get3A_2 = arith.constant 0 : index
    %get3A_3 = arith.constant 0 : index
    %get3A_4 = vector.load %arg2[%get3A_2, %get3A_3] : memref<128x128xf32, #tpu.memory_space<vmem>>, vector<128x128xf32>
    %dot_general3A = arith.constant dense<0.000000e+00> : vector<2000x128xf32>
    %dot_general3A_5 = tpu.matmul %get3A_1, %get3A_4, %dot_general3A {dimension_numbers = #tpu.dot_dimension_numbers<[1], [0], [0], [1], [0, 0, 1, 1], [], []>, transpose_lhs_hint = false} : vector<2000x128xf32>, vector<128x128xf32>, vector<2000x128xf32> -> vector<2000x128xf32>
    %swap3A = arith.constant 0 : index
    %swap3A_6 = arith.constant 0 : index
    %swap3A_7 = vector.load %arg3[%swap3A, %swap3A_6] : memref<2000x128xf32, #tpu.memory_space<vmem>>, vector<2000x128xf32>
    tpu.vector_store %arg3[%swap3A, %swap3A_6], %dot_general3A_5 {strides = array<i32>} : memref<2000x128xf32, #tpu.memory_space<vmem>>, vector<2000x128xf32>,
    return
  }
  func.func @transform_0(%arg0: i32) -> (i32, i32) {
    %c0_i32 = arith.constant 0 : i32
    %c0_i32_0 = arith.constant 0 : i32
    return %arg0, %c0_i32 : i32, i32
  }
  func.func @transform_1(%arg0: i32) -> (i32, i32) {
    %c0_i32 = arith.constant 0 : i32
    %c0_i32_0 = arith.constant 0 : i32
    %c0_i32_1 = arith.constant 0 : i32
    return %c0_i32, %c0_i32_0 : i32, i32
  }
  func.func @transform_2(%arg0: i32) -> (i32, i32) {
    %c0_i32 = arith.constant 0 : i32
    %c0_i32_0 = arith.constant 0 : i32
    return %arg0, %c0_i32 : i32, i32
  }
}

module attributes {stable_mosaic.version = 14 : i64} {
  func.func @_fused_body(%arg0: i32, %arg1: memref<2x2000x128xf32, #tpu.memory_space<vmem>>, %arg2: memref<1x128xf32, #tpu.memory_space<vmem>>, %arg3: memref<128x128xf32, #tpu.memory_space<vmem>>, %arg4: memref<2000x128xf32, #tpu.memory_space<vmem>>) attributes {dimension_semantics = [#tpu.dimension_semantics<arbitrary>], iteration_bounds = array<i64: 5>, scalar_prefetch = 0 : i64, scratch_operands = 0 : i64, tpu.core_type = #tpu.core_type<tc>, window_params = [{transform_indices = @transform_0, window_bounds = array<i64: 2, 2000, 128>}, {pipeline_mode = #tpu.pipeline_mode<synchronous>, transform_indices = @transform_1, window_bounds = array<i64: 1, 128>}, {pipeline_mode = #tpu.pipeline_mode<synchronous>, transform_indices = @transform_2, window_bounds = array<i64: 128, 128>}, {transform_indices = @transform_3, window_bounds = array<i64: 2000, 128>}]} {
    %get3A = arith.constant 0 : index
    %get3A_0 = arith.constant 0 : index
    %get3A_1 = arith.constant 0 : index
    %get3A_2 = vector.load %arg1[%get3A, %get3A_0, %get3A_1] : memref<2x2000x128xf32, #tpu.memory_space<vmem>>, vector<1x2000x128xf32>
    %get3A_3 = vector.shape_cast %get3A_2 : vector<1x2000x128xf32> to vector<2000x128xf32>
    %get3A_4 = arith.constant 1 : index
    %get3A_5 = arith.constant 0 : index
    %get3A_6 = arith.constant 0 : index
    %get3A_7 = vector.load %arg1[%get3A_4, %get3A_5, %get3A_6] : memref<2x2000x128xf32, #tpu.memory_space<vmem>>, vector<1x2000x128xf32>
    %get3A_8 = vector.shape_cast %get3A_7 : vector<1x2000x128xf32> to vector<2000x128xf32>
    %add3A = arith.addf %get3A_3, %get3A_8 : vector<2000x128xf32>
    %get3A_9 = arith.constant 0 : index
    %get3A_10 = arith.constant 0 : index
    %get3A_11 = vector.load %arg2[%get3A_9, %get3A_10] : memref<1x128xf32, #tpu.memory_space<vmem>>, vector<1x128xf32>
    %add3A_12 = vector.broadcast %get3A_11 : vector<1x128xf32> to vector<2000x128xf32>
    %add3A_13 = arith.addf %add3A, %add3A_12 : vector<2000x128xf32>
    %max3A = arith.constant 0.000000e+00 : f32
    %max3A_14 = vector.broadcast %max3A : f32 to vector<2000x128xf32>
    %max3A_15 = arith.maximumf %add3A_13, %max3A_14 : vector<2000x128xf32>
    %get3A_16 = arith.constant 0 : index
    %get3A_17 = arith.constant 0 : index
    %get3A_18 = vector.load %arg3[%get3A_16, %get3A_17] : memref<128x128xf32, #tpu.memory_space<vmem>>, vector<128x128xf32>
    %dot_general3A = arith.constant dense<0.000000e+00> : vector<2000x128xf32>
    %dot_general3A_19 = tpu.matmul %max3A_15, %get3A_18, %dot_general3A {dimension_numbers = #tpu.dot_dimension_numbers<[1], [0], [0], [1], [0, 0, 1, 1], [], []>, transpose_lhs_hint = false} : vector<2000x128xf32>, vector<128x128xf32>, vector<2000x128xf32> -> vector<2000x128xf32>
    %swap3A = arith.constant 0 : index
    %swap3A_20 = arith.constant 0 : index
    %swap3A_21 = vector.load %arg4[%swap3A, %swap3A_20] : memref<2000x128xf32, #tpu.memory_space<vmem>>, vector<2000x128xf32>
    tpu.vector_store %arg4[%swap3A, %swap3A_20], %dot_general3A_19 {strides = array<i32>} : memref<2000x128xf32, #tpu.memory_space<vmem>>, vector<2000x128xf32>,
    return
  }
  func.func @transform_0(%arg0: i32) -> (i32, i32, i32) {
    %c0_i32 = arith.constant 0 : i32
    %c0_i32_0 = arith.constant 0 : i32
    %c0_i32_1 = arith.constant 0 : i32
    return %c0_i32, %arg0, %c0_i32_0 : i32, i32, i32
  }
  func.func @transform_1(%arg0: i32) -> (i32, i32) {
    %c0_i32 = arith.constant 0 : i32
    %c0_i32_0 = arith.constant 0 : i32
    %c0_i32_1 = arith.constant 0 : i32
    return %c0_i32, %c0_i32_0 : i32, i32
  }
  func.func @transform_2(%arg0: i32) -> (i32, i32) {
    %c0_i32 = arith.constant 0 : i32
    %c0_i32_0 = arith.constant 0 : i32
    %c0_i32_1 = arith.constant 0 : i32
    return %c0_i32, %c0_i32_0 : i32, i32
  }
  func.func @transform_3(%arg0: i32) -> (i32, i32) {
    %c0_i32 = arith.constant 0 : i32
    %c0_i32_0 = arith.constant 0 : i32
    return %arg0, %c0_i32 : i32, i32
  }
}

module attributes {stable_mosaic.version = 14 : i64} {
  func.func @_relu_body(%arg0: i32, %arg1: memref<2x2000x128xf32, #tpu.memory_space<vmem>>, %arg2: memref<1x128xf32, #tpu.memory_space<vmem>>, %arg3: memref<2000x128xf32, #tpu.memory_space<vmem>>) attributes {dimension_semantics = [#tpu.dimension_semantics<arbitrary>], iteration_bounds = array<i64: 5>, scalar_prefetch = 0 : i64, scratch_operands = 0 : i64, tpu.core_type = #tpu.core_type<tc>, window_params = [{transform_indices = @transform_0, window_bounds = array<i64: 2, 2000, 128>}, {pipeline_mode = #tpu.pipeline_mode<synchronous>, transform_indices = @transform_1, window_bounds = array<i64: 1, 128>}, {transform_indices = @transform_2, window_bounds = array<i64: 2000, 128>}]} {
    %get3A = arith.constant 0 : index
    %get3A_0 = arith.constant 0 : index
    %get3A_1 = arith.constant 0 : index
    %get3A_2 = vector.load %arg1[%get3A, %get3A_0, %get3A_1] : memref<2x2000x128xf32, #tpu.memory_space<vmem>>, vector<1x2000x128xf32>
    %get3A_3 = vector.shape_cast %get3A_2 : vector<1x2000x128xf32> to vector<2000x128xf32>
    %get3A_4 = arith.constant 1 : index
    %get3A_5 = arith.constant 0 : index
    %get3A_6 = arith.constant 0 : index
    %get3A_7 = vector.load %arg1[%get3A_4, %get3A_5, %get3A_6] : memref<2x2000x128xf32, #tpu.memory_space<vmem>>, vector<1x2000x128xf32>
    %get3A_8 = vector.shape_cast %get3A_7 : vector<1x2000x128xf32> to vector<2000x128xf32>
    %add3A = arith.addf %get3A_3, %get3A_8 : vector<2000x128xf32>
    %get3A_9 = arith.constant 0 : index
    %get3A_10 = arith.constant 0 : index
    %get3A_11 = vector.load %arg2[%get3A_9, %get3A_10] : memref<1x128xf32, #tpu.memory_space<vmem>>, vector<1x128xf32>
    %add3A_12 = vector.broadcast %get3A_11 : vector<1x128xf32> to vector<2000x128xf32>
    %add3A_13 = arith.addf %add3A, %add3A_12 : vector<2000x128xf32>
    %max3A = arith.constant 0.000000e+00 : f32
    %max3A_14 = vector.broadcast %max3A : f32 to vector<2000x128xf32>
    %max3A_15 = arith.maximumf %add3A_13, %max3A_14 : vector<2000x128xf32>
    %swap3A = arith.constant 0 : index
    %swap3A_16 = arith.constant 0 : index
    %swap3A_17 = vector.load %arg3[%swap3A, %swap3A_16] : memref<2000x128xf32, #tpu.memory_space<vmem>>, vector<2000x128xf32>
    tpu.vector_store %arg3[%swap3A, %swap3A_16], %max3A_15 {strides = array<i32>} : memref<2000x128xf32, #tpu.memory_space<vmem>>, vector<2000x128xf32>,
    return
  }
  func.func @transform_0(%arg0: i32) -> (i32, i32, i32) {
    %c0_i32 = arith.constant 0 : i32
    %c0_i32_0 = arith.constant 0 : i32
    %c0_i32_1 = arith.constant 0 : i32
    return %c0_i32, %arg0, %c0_i32_0 : i32, i32, i32
  }
  func.func @transform_1(%arg0: i32) -> (i32, i32) {
    %c0_i32 = arith.constant 0 : i32
    %c0_i32_0 = arith.constant 0 : i32
    %c0_i32_1 = arith.constant 0 : i32
    return %c0_i32, %c0_i32_0 : i32, i32
  }
  func.func @transform_2(%arg0: i32) -> (i32, i32) {
    %c0_i32 = arith.constant 0 : i32
    %c0_i32_0 = arith.constant 0 : i32
    return %arg0, %c0_i32 : i32, i32
  }
}

module attributes {stable_mosaic.version = 14 : i64} {
  func.func @_final_body(%arg0: i32, %arg1: memref<2x2000x128xf32, #tpu.memory_space<vmem>>, %arg2: memref<128x64xf32, #tpu.memory_space<vmem>>, %arg3: memref<1x64xf32, #tpu.memory_space<vmem>>, %arg4: memref<2000x64xf32, #tpu.memory_space<vmem>>) attributes {dimension_semantics = [#tpu.dimension_semantics<arbitrary>], iteration_bounds = array<i64: 5>, scalar_prefetch = 0 : i64, scratch_operands = 0 : i64, tpu.core_type = #tpu.core_type<tc>, window_params = [{transform_indices = @transform_0, window_bounds = array<i64: 2, 2000, 128>}, {pipeline_mode = #tpu.pipeline_mode<synchronous>, transform_indices = @transform_1, window_bounds = array<i64: 128, 64>}, {pipeline_mode = #tpu.pipeline_mode<synchronous>, transform_indices = @transform_2, window_bounds = array<i64: 1, 64>}, {transform_indices = @transform_3, window_bounds = array<i64: 2000, 64>}]} {
    %get3A = arith.constant 0 : index
    %get3A_0 = arith.constant 0 : index
    %get3A_1 = arith.constant 0 : index
    %get3A_2 = vector.load %arg1[%get3A, %get3A_0, %get3A_1] : memref<2x2000x128xf32, #tpu.memory_space<vmem>>, vector<1x2000x128xf32>
    %get3A_3 = vector.shape_cast %get3A_2 : vector<1x2000x128xf32> to vector<2000x128xf32>
    %get3A_4 = arith.constant 1 : index
    %get3A_5 = arith.constant 0 : index
    %get3A_6 = arith.constant 0 : index
    %get3A_7 = vector.load %arg1[%get3A_4, %get3A_5, %get3A_6] : memref<2x2000x128xf32, #tpu.memory_space<vmem>>, vector<1x2000x128xf32>
    %get3A_8 = vector.shape_cast %get3A_7 : vector<1x2000x128xf32> to vector<2000x128xf32>
    %add3A = arith.addf %get3A_3, %get3A_8 : vector<2000x128xf32>
    %get3A_9 = arith.constant 0 : index
    %get3A_10 = arith.constant 0 : index
    %get3A_11 = vector.load %arg2[%get3A_9, %get3A_10] : memref<128x64xf32, #tpu.memory_space<vmem>>, vector<128x64xf32>
    %dot_general3A = arith.constant dense<0.000000e+00> : vector<2000x64xf32>
    %dot_general3A_12 = tpu.matmul %add3A, %get3A_11, %dot_general3A {dimension_numbers = #tpu.dot_dimension_numbers<[1], [0], [0], [1], [0, 0, 1, 1], [], []>, transpose_lhs_hint = false} : vector<2000x128xf32>, vector<128x64xf32>, vector<2000x64xf32> -> vector<2000x64xf32>
    %get3A_13 = arith.constant 0 : index
    %get3A_14 = arith.constant 0 : index
    %get3A_15 = vector.load %arg3[%get3A_13, %get3A_14] : memref<1x64xf32, #tpu.memory_space<vmem>>, vector<1x64xf32>
    %add3A_16 = vector.broadcast %get3A_15 : vector<1x64xf32> to vector<2000x64xf32>
    %add3A_17 = arith.addf %dot_general3A_12, %add3A_16 : vector<2000x64xf32>
    %swap3A = arith.constant 0 : index
    %swap3A_18 = arith.constant 0 : index
    %swap3A_19 = vector.load %arg4[%swap3A, %swap3A_18] : memref<2000x64xf32, #tpu.memory_space<vmem>>, vector<2000x64xf32>
    tpu.vector_store %arg4[%swap3A, %swap3A_18], %add3A_17 {strides = array<i32>} : memref<2000x64xf32, #tpu.memory_space<vmem>>, vector<2000x64xf32>,
    return
  }
  func.func @transform_0(%arg0: i32) -> (i32, i32, i32) {
    %c0_i32 = arith.constant 0 : i32
    %c0_i32_0 = arith.constant 0 : i32
    %c0_i32_1 = arith.constant 0 : i32
    return %c0_i32, %arg0, %c0_i32_0 : i32, i32, i32
  }
  func.func @transform_1(%arg0: i32) -> (i32, i32) {
    %c0_i32 = arith.constant 0 : i32
    %c0_i32_0 = arith.constant 0 : i32
    %c0_i32_1 = arith.constant 0 : i32
    return %c0_i32, %c0_i32_0 : i32, i32
  }
  func.func @transform_2(%arg0: i32) -> (i32, i32) {
    %c0_i32 = arith.constant 0 : i32
    %c0_i32_0 = arith.constant 0 : i32
    %c0_i32_1 = arith.constant 0 : i32
    return %c0_i32, %c0_i32_0 : i32, i32
  }
  func.func @transform_3(%arg0: i32) -> (i32, i32) {
    %c0_i32 = arith.constant 0 : i32
    %c0_i32_0 = arith.constant 0 : i32
    return %arg0, %c0_i32 : i32, i32
  }
}

</mosaic_0001>

<sc_bundles>
// kernel: kernel.12.cloned.1.call-start
scs
__scs_entry_jumppad:
0x0: {  	(pc) =	sbr.rel $0x88, $3  }
0x1: {  	(tag) =	ssettag $0x0;
	lr =	simm.s32 $0x1  }
0x2: {  	[smem:$0x3F99] =	sst lr;
	_ =	strace $0xD0000000  }
0x3: {  	_ = 	snop  }
0x4: {  	_ = 	snop  }
0x5: {  	_ = 	snop  }
0x6: {  	_ = 	snop  }
0x7: {  	_ = 	snop  }
__scs_overlays_trampoline_lowered:
0x8: {  	[smem:$0x3FA8] =	sst s0  }
0x9: {  	[smem:$0x3FA9] =	sst s1  }
0xa: {  	[smem:$0x3FAA] =	sst s2  }
0xb: {  	[smem:$0x3FAB] =	sst s3  }
0xc: {  	[smem:$0x3FAC] =	sst s4  }
0xd: {  	[smem:$0x3FAD] =	sst s5  }
0xe: {  	[smem:$0x3FAE] =	sst s6  }
0xf: {  	[smem:$0x3FAF] =	sst s7  }
0x10: {  	[smem:$0x3FB0] =	sst s8  }
0x11: {  	[smem:$0x3FB1] =	sst s9;
	s0 =	simm.s32 @!p0 $0x0  }
0x12: {  	s1 =	sld [smem:$0x3F97];
	s0 =	simm.s32 @p0 $0x1  }
0x13: {  	[smem:$0x3FB2] =	sst s0;
	s0 =	simm.s32 @!p1 $0x0  }
0x14: {  	s2 =	sld [smem:$0x3F96];
	s0 =	simm.s32 @p1 $0x1  }
0x15: {  	[smem:$0x3FB3] =	sst s0;
	s0 =	simm.s32 @!p2 $0x0  }
0x16: {  	s3 =	sld [smem:$0x3FDB];
	s0 =	simm.s32 @p2 $0x1  }
0x17: {  	s4 =	simm.s32 $0x1BF5;
	[smem:$0x3FB5] =	sst s0  }
0x18: {  	s0 =	sld [smem:$0x3F98];
	_ =	swait.ge [sflag:s4], $0x0  }
0x19: {  	s7 =	sld [smem:$0x3F99]  }
0x1a: {  	s8 =	sadd.s32 $0xFFFFE003, lr  }
0x1b: {  	s9 =	sadd.s32 $0xFFFFFEF7, lr;
	s5 =	simm.s32 $0xFFFFFFFF;
	p2 =	slt.u32 s8, $0xFFFFF086  }
0x1c: {  	p1 =	slt.u32 s9, $0xF7A;
	s5 =	simm.s32 @!p2 $0x0  }
0x1d: {  	s5 =	simm.s32 @p1 $0x1;
	p0 =	seq.s32 s7, s2  }
0x1e: {  	s7 =	smul.u32 @!p0 $0xF7A, s2;
	p2 =	seq.s32 @!p0 s5, $0x0  }
0x1f: {  	s9 =	smul.u32 $0xF7A, s1;
	s8 =	simm.s32 @!p0 $0x1BF5;
	p2 =	por !p2, p0  }
0x20: {  	[sflag:s8] =	ssyncset.s32 @!p0 $0xFFFFF086;
	s6 =	sadd.s32 @!p0 s3, s7;
	s7 =	simm.s32 @!p0 $0x108  }
0x21: {  	s3 =	sadd.s32 s3, s9;
	s6 =	sadd.s32 @!p0 $0x88, s6;
	s7 =	simm.s32 @p2 $0x1082  }
0x22: {  	[simem:s7], [sflag:s8] =	dma.local @!p0 [hbm:s6], $0xF7A  }
0x23: {  	s9 =	sor.u32 $0xD0000000, s2;
	s6 =	simm.s32 $0x108;
	_ =	swait.ge @!p0 [sflag:s8], $0x0  }
0x24: {  	s3 =	sadd.s32 $0x88, s3;
	s6 =	simm.s32 @!p1 $0x1082;
	[sflag:s4] =	ssyncset.s32 $0xFFFFF086  }
0x25: {  	[simem:s6], [sflag:s4] =	dma.local [hbm:s3], $0xF7A  }
0x26: {  	[smem:$0x3F99] =	sst s1;
	(tag) =	ssettag s2;
	_ =	strace s9  }
0x27: {  	s1 =	sld [smem:$0x3FA9]  }
0x28: {  	s2 =	sld [smem:$0x3FAA]  }
0x29: {  	s4 =	sld [smem:$0x3FAC]  }
0x2a: {  	p0 =	seq.s32 s5, $0x0;
	s5 =	sld [smem:$0x3FAD]  }
0x2b: {  	s6 =	sld [smem:$0x3FAE]  }
0x2c: {  	s7 =	sld [smem:$0x3FAF]  }
0x2d: {  	s3 =	simm.s32 $0x108;
	s8 =	sld [smem:$0x3FB0]  }
0x2e: {  	s3 =	simm.s32 @!p0 $0x1082;
	s9 =	sld [smem:$0x3FB1]  }
0x2f: {  	lr =	sadd.s32 s0, s3;
	s0 =	sld [smem:$0x3FA8]  }
0x30: {  	s3 =	sld [smem:$0x3FAB]  }
0x31: {  	[smem:$0x3FB4] =	sst s10  }
0x32: {  	s10 =	sld [smem:$0x3FB2];
	_ =	sdelay $0x3  }
0x33: {  	p0 =	seq.s32 s10, $0x1;
	s10 =	sld [smem:$0x3FB4];
	_ =	sdelay $0x3  }
0x34: {  	[smem:$0x3FB4] =	sst s10  }
0x35: {  	s10 =	sld [smem:$0x3FB3];
	_ =	sdelay $0x3  }
0x36: {  	p1 =	seq.s32 s10, $0x1;
	s10 =	sld [smem:$0x3FB4];
	_ =	sdelay $0x3  }
0x37: {  	[smem:$0x3FB4] =	sst s10  }
0x38: {  	s10 =	sld [smem:$0x3FB5]  }
0x39: {  	_ = 	snop;
	(pc) =	sbr.ind lr, $3  }
0x3a: {  	_ = 	snop  }
0x3b: {  	_ = 	snop  }
0x3c: {  	p2 =	seq.s32 s10, $0x1;
	s10 =	sld [smem:$0x3FB4]  }
0x3d: {  	_ =	shalt  }
0x3e: {  	_ =	shalt  }
0x3f: {  	_ =	shalt  }
0x40: {  	_ =	shalt  }
0x41: {  	_ =	shalt  }
0x42: {  	_ =	shalt  }
0x43: {  	_ =	shalt  }
0x44: {  	_ =	shalt  }
0x45: {  	_ =	shalt  }
0x46: {  	_ =	shalt  }
0x47: {  	_ =	shalt  }
0x48: {  	_ =	shalt  }
0x49: {  	_ =	shalt  }
0x4a: {  	_ =	shalt  }
0x4b: {  	_ =	shalt  }
0x4c: {  	_ =	shalt  }
0x4d: {  	_ =	shalt  }
0x4e: {  	_ =	shalt  }
0x4f: {  	_ =	shalt  }
0x50: {  	_ =	shalt  }
0x51: {  	_ =	shalt  }
0x52: {  	_ =	shalt  }
0x53: {  	_ =	shalt  }
0x54: {  	_ =	shalt  }
0x55: {  	_ =	shalt  }
0x56: {  	_ =	shalt  }
0x57: {  	_ =	shalt  }
0x58: {  	_ =	shalt  }
0x59: {  	_ =	shalt  }
0x5a: {  	_ =	shalt  }
0x5b: {  	_ =	shalt  }
0x5c: {  	_ =	shalt  }
0x5d: {  	_ =	shalt  }
0x5e: {  	_ =	shalt  }
0x5f: {  	_ =	shalt  }
0x60: {  	_ =	shalt  }
0x61: {  	_ =	shalt  }
0x62: {  	_ =	shalt  }
0x63: {  	_ =	shalt  }
0x64: {  	_ =	shalt  }
0x65: {  	_ =	shalt  }
0x66: {  	_ =	shalt  }
0x67: {  	_ =	shalt  }
0x68: {  	_ =	shalt  }
0x69: {  	_ =	shalt  }
0x6a: {  	_ =	shalt  }
0x6b: {  	_ =	shalt  }
0x6c: {  	_ =	shalt  }
0x6d: {  	_ =	shalt  }
0x6e: {  	_ =	shalt  }
0x6f: {  	_ =	shalt  }
0x70: {  	_ =	shalt  }
0x71: {  	_ =	shalt  }
0x72: {  	_ =	shalt  }
0x73: {  	_ =	shalt  }
0x74: {  	_ =	shalt  }
0x75: {  	_ =	shalt  }
0x76: {  	_ =	shalt  }
0x77: {  	_ =	shalt  }
0x78: {  	_ =	shalt  }
0x79: {  	_ =	shalt  }
0x7a: {  	_ =	shalt  }
0x7b: {  	_ =	shalt  }
0x7c: {  	_ =	shalt  }
0x7d: {  	_ =	shalt  }
0x7e: {  	_ =	shalt  }
0x7f: {  	_ =	shalt  }
0x80: {  	_ =	shalt  }
0x81: {  	_ =	shalt  }
0x82: {  	_ =	shalt  }
0x83: {  	_ =	shalt  }
0x84: {  	_ =	shalt  }
0x85: {  	_ =	shalt  }
0x86: {  	_ =	shalt  }
0x87: {  	_ =	shalt  }
.Lfunc_end0:
.L_simem_size_0:
called_computation.1_lowered:
.L_overlay_start_0:
0x88: {  	s2 =	sld [smem:$0x3FD9]  }
0x89: {  	s3 =	sld [smem:$0x3FFE];
	_ =	sdelay $0x1  }
0x8a: {  	s1 =	srdreg.scid  }
0x8b: {  	s0 =	sand.u32 $0x1, s1  }
0x8c: {  	s17 =	sshll.u32 s0, $0xA;
	s2 =	sadd.s32 s3, s2  }
0x8d: {  	s2 =	sadd.s32 s2, s17  }
0x8e: {  	[smem:$0x3FC0] =	sst s2  }
0x8f: {  	_ = 	snop  }
0x90: {  	s2 =	sld [smem:$0x3FD0];
	(tm) =	ssettm $0x1  }
0x91: {  	s18 =	sld [smem:$0x3FFB];
	_ =	sdelay $0x3  }
0x92: {  	_ =	strace s18  }
0x93: {  	s3 =	sld [smem:$0x3FFC];
	_ =	sdelay $0x3  }
0x94: {  	_ =	strace s3  }
0x95: {  	s3 =	sld [smem:$0x3FFD];
	_ =	sdelay $0x3  }
0x96: {  	_ =	strace s3  }
0x97: {  	_ =	strace $0x8FFFFFFF  }
0x98: {  	s19 =	sld [smem:$0x3FDB];
	_ =	sdelay $0x1  }
0x99: {  	s4 =	simm.s32 $_scs_section_size  }
0x9a: {  	s5 =	simm.s32 $_size__tile_overlayer_lowered;
	s6 =	simm.s32 $_tile_overlayer_lowered  }
0x9b: {  	s22 =	simm.s32 $0x1BFF;
	s21 =	sshll.u32 s6, $0x1;
	s3 =	sadd.s32 s4, s19  }
0x9c: {  	s7 =	simm.s32 $0x0;
	s20 =	sshll.u32 s5, $0x1;
	s5 =	sadd.s32 s21, s3  }
0x9d: {  	[timem:s7], [sflag:s22] =	dma.local [hbm:s5], s20  }
0x9e: {  	_ =	swait.ge [sflag:s22], s20  }
0x9f: {  	s4 =	ssub.s32 $0x0, s20;
	[sflag:s22] =	ssyncset.done $0x0  }
0xa0: {  	[sflag:s22] =	ssyncadd.s32 s4;
	_ =	sdelay $0x1  }
0xa1: {  	s23 =	simm.s32 $0x1B8B  }
0xa2: {  	_ =	swait.ge [sflag:s23], $0x1  }
0xa3: {  	[sflag:s23] =	ssyncset.done $0x0  }
0xa4: {  	s25 =	simm.s32 $0x1B8E;
	s24 =	sld [smem:$0x3FFE];
	[sflag:s23] =	ssyncadd.s32 $0xFFFFFFFF  }
0xa5: {  	s26 =	simm.s32 $execute0_lowered;
	[smem:$0x3FD2] =	sst s25  }
0xa6: {  	s5 =	sshll.u32 s26, $0x1;
	_ =	strace $0x80000049;
	[dreg:$0x1] =	wrdreg $0xFFFFFFFF  }
0xa7: {  	s28 =	simm.s32 $_size_execute0_lowered;
	s3 =	sadd.s32 s3, s5;
	[dreg:$0x0] =	wrdreg $0x0  }
0xa8: {  	s5 =	sshll.u32 s28, $0x1;
	[dreg:$0x2] =	wrdreg s3  }
0xa9: {  	[dreg:$0x3] =	wrdreg s5  }
0xaa: {  	[dreg:$0x4] =	wrdreg $0xC0  }
0xab: {  	_ =	task [dreg:s7], $0x5FFFF  }
0xac: {  	[dreg:$0x1] =	wrdreg $0xFFFFFFFF  }
0xad: {  	[dreg:$0x0] =	wrdreg $0x60  }
0xae: {  	[dreg:$0x2] =	wrdreg s24  }
0xaf: {  	[dreg:$0x3] =	wrdreg s2  }
0xb0: {  	[dreg:$0x4] =	wrdreg $0xA8000  }
0xb1: {  	[dreg:$0x5] =	wrdreg $0x9  }
0xb2: {  	_ =	task.clear_ibuf [dreg:s7], $0x6FFFF;
	_ =	strace $0x90000049  }
0xb3: {  	s29 =	simm.s32 $0x9;
	_ =	strace $0x8000004B  }
0xb4: {  	_ =	swait.ge [sflag:s29], $0x1  }
0xb5: {  	[sflag:s29] =	ssyncadd.s32 $0xFFFFFFFF  }
0xb6: {  	_ =	strace $0x9000004B  }
0xb7: {  	_ =	sfence  }
0xb8: {  	s30 =	sld [smem:$0x0];
	_ =	sdelay $0x2  }
0xb9: {  	s31 =	sshll.u32 s1, $0xD;
	s1 =	sshrl.u32 s1, $0x2  }
0xba: {  	s3 =	sand.u32 $0x4000, s31;
	s1 =	sadd.s32 s1, s30  }
0xbb: {  	s0 =	sor.u32 s3, s0;
	s1 =	sshll.u32 s1, $0x11  }
0xbc: {  	s0 =	sor.u32 s1, s0  }
0xbd: {  	s0 =	sadd.s32 $0x8F2B, s0  }
0xbe: {  	[sflag:s0] =	ssyncadd.remote.s32 $0x1  }
0xbf: {  	_ =	sfence.sel $0xFFFF  }
0xc0: {  	[dreg:$0x0] =	wrdreg $0xFFFFFFFF;
	(pc) =	sbr.abs _section_cstart, $3  }
0xc1: {  	[dreg:$0x1] =	wrdreg $0xFFFFFFFF  }
0xc2: {  	_ =	task.clear_ibuf [dreg:s7], $0x2FFFF;
	_ =	strace $0x9FFFFFFF  }
0xc3: {  	(tm) =	ssettm $0x7FFFFFFF  }
tec
execute0_lowered:
.L_overlay_start_1:
0x0: {  	(tag) =	ssettag $0x1  }
0x1: {  	s6 =	rddreg [dreg:$0x0]  }
0x2: {  	s7 =	rddreg [dreg:$0x1]  }
0x3: {  	s1 =	rddreg [dreg:$0x2]  }
0x4: {  	s0 =	rddreg [dreg:$0x3]  }
0x5: {  	s3 =	simm.s32 $0x0;
	s2 =	srdreg.scid;
	s14 =	simm.s32 $0x50  }
0x6: {  	s15 =	simm.s32 $0x8000;
	s16 =	simm.s32 $0x1;
	s17 =	simm.s32 $0x0  }
0x7: {  	[smem:$0x7FF] =	sst s3;
	s8 =	sand.u32 $0x1, s2;
	s2 =	stileid.u32  }
0x8: {  	s4 =	sadd.s32 $0x11800, s6;
	s5 =	smul.u32 $0x13C000, s8;
	s9 =	sshll.u32 s8, $0xF  }
0x9: {  	s10 =	sshll.u32 s2, $0xB;
	s11 =	smul.u32 $0x13C00, s2;
	_ =	strace $0x8000004A  }
0xa: {  	s12 =	smul.u32 $0x4E200, s2;
	s8 =	ssub.s32 $0x2, s8;
	s9 =	sor.u32 s10, s9  }
0xb: {  	s31 =	sshll.u32 s2, $0x6;
	s30 =	sshrl.u32 s8, $0x1;
	s10 =	sadd.s32 s9, s6  }
0xc: {  	s11 =	sadd.s32 s11, s5;
	s5 =	sadd.s32 $0x38A00, s6;
	s12 =	sshrl.u32 s12, $0x2  }
0xd: {  	s13 =	ssub.s32 s8, s30;
	s7 =	sadd.s32 s7, s9;
	s11 =	sshrl.u32 s11, $0x3  }
0xe: {  	s12 =	sadd.s32 s12, s1;
	s8 =	sadd.s32 $0x1800, s10;
	s10 =	smax.u32 s13, $0x1  }
0xf: {  	s13 =	simm.s32 $0x4000;
	s11 =	sadd.s32 s11, s6;
	s6 =	sor.u32 $0x1C02, s31  }
0x10: {  	s9 =	sadd.s32 $0x3B200, s11;
	s11 =	sshrl.u32 s12, $0x3;
	s12 =	simm.s32 $0x2  }
.LBB2_1:
0x11: {  	[spmem:s11], [sflag:s6] =	dma.local [hbm:s5], $0x2710  }
0x12: {  	_ =	swait.ge [sflag:s12], $0x2710  }
0x13: {  	[sflag:s12] =	ssyncset.done $0x0  }
0x14: {  	[sflag:s12] =	ssyncadd.s32 $0xFFFFD8F0  }
0x15: {  	[tilespmem:s3], [sflag:$0x2] =	stream.linear.gather [hbm4b:s7+s3], $0x3E80, $0x38;
	[tilespmem:$0x1E080] =	vst v63  }
0x16: {  	_ =	swait.ge [sflag:s12], $0x3E80  }
0x17: {  	[sflag:s12] =	ssyncset.done $0x0  }
0x18: {  	[sflag:s12] =	ssyncadd.s32 $0xFFFFC180  }
0x19: {  	[tilespmem:s13], [sflag:$0x2] =	stream.linear.gather [hbm4b:s8+s3], $0x3E80, $0x38;
	[tilespmem:$0x1E080] =	vst v63  }
0x1a: {  	_ =	swait.ge [sflag:s12], $0x3E80  }
0x1b: {  	[sflag:s12] =	ssyncset.done $0x0  }
0x1c: {  	[sflag:s12] =	ssyncadd.s32 $0xFFFFC180  }
0x1d: {  	s18 =	simm.s32 $0x0;
	[bflag:$0x0] =	sbarrier.arrive $0xFFFF  }
0x1e: {  	[tilespmem:s15], [sflag:$0x1] =	stream.indirect.gather [hbm4b:s4+s14], $0x80, s18, s14, $0xb8;
	[tilespmem:$0x1E080] =	vst v63  }
0x1f: {  	_ =	swait.ge [sflag:s16], $0x2800  }
0x20: {  	[sflag:s16] =	ssyncset.done $0x0  }
0x21: {  	s31 =	simm.s32 $0x4000;
	[sflag:s16] =	ssyncadd.s32 $0xFFFFD800  }
0x22: {  	[spmem:s1] =	stream.indirect.scatter.add.f32 [tilespmem:s15], [sflag:$0x2], $0x80, s31, s14, $0xb8;
	[tilespmem:$0x1E080] =	vst v63  }
0x23: {  	_ =	swait.ge [sflag:s12], $0x2800  }
0x24: {  	s19 =	simm.s32 $0x400;
	s18 =	simm.s32 $0x200;
	[sflag:s12] =	ssyncset.done $0x0  }
.LBB2_2:
0x25: {  	s20 =	sshra.s32 s18, $0x2  }
0x26: {  	[sflag:s12] =	ssyncadd.s32 $0xFFFFD800;
	s18 =	smov.u32 s19;
	s21 =	sadd.s32 $0x200, s19  }
0x27: {  	[tilespmem:s15], [sflag:$0x1] =	stream.indirect.gather [hbm4b:s4+s14], $0x80, s20, s14, $0xb8;
	[tilespmem:$0x1E080] =	vst v63  }
0x28: {  	p0 =	sne.s32 s19, $0xF800;
	_ =	swait.ge [sflag:s16], $0x2800  }
.Ltmp0:
0x29: {  	[sflag:s16] =	ssyncset.done $0x0;
	(pc) =	sbr.rel @p0 .LBB2_2-.Ltmp0, $4  }
0x2a: {  	s19 =	sadd.s32 $0x4000, s20;
	[sflag:s16] =	ssyncadd.s32 $0xFFFFD800  }
0x2b: {  	[spmem:s1] =	stream.indirect.scatter.add.f32 [tilespmem:s15], [sflag:$0x2], $0x80, s19, s14, $0xb8;
	[tilespmem:$0x1E080] =	vst v63  }
0x2c: {  	_ =	swait.ge [sflag:s12], $0x2800  }
0x2d: {  	s19 =	smov.u32 s21;
	[sflag:s12] =	ssyncset.done $0x0  }
0x2e: {  	s18 =	sshra.s32 s18, $0x2;
	[sflag:s12] =	ssyncadd.s32 $0xFFFFD800  }
0x2f: {  	[tilespmem:s15], [sflag:$0x1] =	stream.indirect.gather [hbm4b:s4+s14], $0x80, s18, s14, $0xb8;
	[tilespmem:$0x1E080] =	vst v63  }
0x30: {  	_ =	swait.ge [sflag:s16], $0x2800  }
0x31: {  	[sflag:s16] =	ssyncset.done $0x0  }
0x32: {  	s18 =	sadd.s32 $0x4000, s18;
	[sflag:s16] =	ssyncadd.s32 $0xFFFFD800  }
0x33: {  	[spmem:s1] =	stream.indirect.scatter.add.f32 [tilespmem:s15], [sflag:$0x2], $0x80, s18, s14, $0xb8;
	[tilespmem:$0x1E080] =	vst v63  }
0x34: {  	_ =	swait.ge [sflag:s12], $0x2800  }
0x35: {  	s17 =	sadd.s32 $0x1, s17;
	[sflag:s12] =	ssyncset.done $0x0  }
0x36: {  	p0 =	sne.s32 s17, s10;
	[sflag:s12] =	ssyncadd.s32 $0xFFFFD800  }
.Ltmp1:
0x37: {  	[bflag:$0x0] =	sbarrier.arrive $0xFFFF;
	(pc) =	sbr.rel @p0 .LBB2_1-.Ltmp1, $4  }
0x38: {  	[hbm:s9], [sflag:s6] =	dma.local [spmem:s11], $0x2710  }
0x39: {  	_ =	swait.ge [sflag:s12], $0x2710  }
0x3a: {  	[sflag:s12] =	ssyncset.done $0x0  }
0x3b: {  	[sflag:s12] =	ssyncadd.s32 $0xFFFFD8F0  }
0x3c: {  	_ =	sfence.sel $0x180000  }
0x3d: {  	[bflag:$0x0] =	sbarrier.arrive $0xFFFF  }
0x3e: {  	p0 =	sne.s32 s2, $0x0;
	_ =	strace $0x9000004A  }
0x3f: {  	s0 =	sadd.s32 @!p0 $0x100000, s0;
	[bflag:$0x2] =	sbarrier.arrive $0xFFFF  }
0x40: {  	[sflag:s0] =	ssyncadd.tile.s32 @!p0 $0x1;
	_ =	shalt  }
.Lfunc_end2:
_tile_overlayer_lowered:
.L_overlay_start_2:
0x41: {  	(tag) =	ssettag $0x2  }
0x42: {  	s0 =	rddreg [dreg:$0x0];
	s2 =	stileid.u32  }
0x43: {  	s1 =	rddreg [dreg:$0x1];
	p0 =	sne.s32 s2, $0x0  }
0x44: {  	s3 =	rddreg [dreg:$0x2];
	[bflag:$0x3] =	sbarrier.arrive $0xFFFF;
	s2 =	simm.s32 @!p0 $0x1C02  }
0x45: {  	[timem:s3], [sflag:s2] =	dma.local @!p0 [hbm:s0], s1  }
0x46: {  	s0 =	simm.s32 @!p0 $0x2  }
0x47: {  	_ =	swait.ge @!p0 [sflag:s0], s1  }
0x48: {  	s1 =	ssub.s32 @!p0 $0x0, s1;
	[sflag:s0] =	ssyncset.done @!p0 $0x0  }
0x49: {  	[sflag:s0] =	ssyncadd.s32 @!p0 s1  }
0x4a: {  	[bflag:$0x3] =	sbarrier.arrive $0xFFFF  }
0x4b: {  	_ =	shalt  }

// kernel: kernel.15.cloned.1.call-start
scs
__scs_entry_jumppad:
0x0: {  	(pc) =	sbr.rel $0x88, $3  }
0x1: {  	(tag) =	ssettag $0x0;
	lr =	simm.s32 $0x1  }
0x2: {  	[smem:$0x3F99] =	sst lr;
	_ =	strace $0xD0000000  }
0x3: {  	_ = 	snop  }
0x4: {  	_ = 	snop  }
0x5: {  	_ = 	snop  }
0x6: {  	_ = 	snop  }
0x7: {  	_ = 	snop  }
__scs_overlays_trampoline_lowered:
0x8: {  	[smem:$0x3FA8] =	sst s0  }
0x9: {  	[smem:$0x3FA9] =	sst s1  }
0xa: {  	[smem:$0x3FAA] =	sst s2  }
0xb: {  	[smem:$0x3FAB] =	sst s3  }
0xc: {  	[smem:$0x3FAC] =	sst s4  }
0xd: {  	[smem:$0x3FAD] =	sst s5  }
0xe: {  	[smem:$0x3FAE] =	sst s6  }
0xf: {  	[smem:$0x3FAF] =	sst s7  }
0x10: {  	[smem:$0x3FB0] =	sst s8  }
0x11: {  	[smem:$0x3FB1] =	sst s9;
	s0 =	simm.s32 @!p0 $0x0  }
0x12: {  	s1 =	sld [smem:$0x3F97];
	s0 =	simm.s32 @p0 $0x1  }
0x13: {  	[smem:$0x3FB2] =	sst s0;
	s0 =	simm.s32 @!p1 $0x0  }
0x14: {  	s2 =	sld [smem:$0x3F96];
	s0 =	simm.s32 @p1 $0x1  }
0x15: {  	[smem:$0x3FB3] =	sst s0;
	s0 =	simm.s32 @!p2 $0x0  }
0x16: {  	s3 =	sld [smem:$0x3FDB];
	s0 =	simm.s32 @p2 $0x1  }
0x17: {  	s4 =	simm.s32 $0x1BF5;
	[smem:$0x3FB5] =	sst s0  }
0x18: {  	s0 =	sld [smem:$0x3F98];
	_ =	swait.ge [sflag:s4], $0x0  }
0x19: {  	s7 =	sld [smem:$0x3F99]  }
0x1a: {  	s8 =	sadd.s32 $0xFFFFE003, lr  }
0x1b: {  	s9 =	sadd.s32 $0xFFFFFEF7, lr;
	s5 =	simm.s32 $0xFFFFFFFF;
	p2 =	slt.u32 s8, $0xFFFFF086  }
0x1c: {  	p1 =	slt.u32 s9, $0xF7A;
	s5 =	simm.s32 @!p2 $0x0  }
0x1d: {  	s5 =	simm.s32 @p1 $0x1;
	p0 =	seq.s32 s7, s2  }
0x1e: {  	s7 =	smul.u32 @!p0 $0xF7A, s2;
	p2 =	seq.s32 @!p0 s5, $0x0  }
0x1f: {  	s9 =	smul.u32 $0xF7A, s1;
	s8 =	simm.s32 @!p0 $0x1BF5;
	p2 =	por !p2, p0  }
0x20: {  	[sflag:s8] =	ssyncset.s32 @!p0 $0xFFFFF086;
	s6 =	sadd.s32 @!p0 s3, s7;
	s7 =	simm.s32 @!p0 $0x108  }
0x21: {  	s3 =	sadd.s32 s3, s9;
	s6 =	sadd.s32 @!p0 $0x88, s6;
	s7 =	simm.s32 @p2 $0x1082  }
0x22: {  	[simem:s7], [sflag:s8] =	dma.local @!p0 [hbm:s6], $0xF7A  }
0x23: {  	s9 =	sor.u32 $0xD0000000, s2;
	s6 =	simm.s32 $0x108;
	_ =	swait.ge @!p0 [sflag:s8], $0x0  }
0x24: {  	s3 =	sadd.s32 $0x88, s3;
	s6 =	simm.s32 @!p1 $0x1082;
	[sflag:s4] =	ssyncset.s32 $0xFFFFF086  }
0x25: {  	[simem:s6], [sflag:s4] =	dma.local [hbm:s3], $0xF7A  }
0x26: {  	[smem:$0x3F99] =	sst s1;
	(tag) =	ssettag s2;
	_ =	strace s9  }
0x27: {  	s1 =	sld [smem:$0x3FA9]  }
0x28: {  	s2 =	sld [smem:$0x3FAA]  }
0x29: {  	s4 =	sld [smem:$0x3FAC]  }
0x2a: {  	p0 =	seq.s32 s5, $0x0;
	s5 =	sld [smem:$0x3FAD]  }
0x2b: {  	s6 =	sld [smem:$0x3FAE]  }
0x2c: {  	s7 =	sld [smem:$0x3FAF]  }
0x2d: {  	s3 =	simm.s32 $0x108;
	s8 =	sld [smem:$0x3FB0]  }
0x2e: {  	s3 =	simm.s32 @!p0 $0x1082;
	s9 =	sld [smem:$0x3FB1]  }
0x2f: {  	lr =	sadd.s32 s0, s3;
	s0 =	sld [smem:$0x3FA8]  }
0x30: {  	s3 =	sld [smem:$0x3FAB]  }
0x31: {  	[smem:$0x3FB4] =	sst s10  }
0x32: {  	s10 =	sld [smem:$0x3FB2];
	_ =	sdelay $0x3  }
0x33: {  	p0 =	seq.s32 s10, $0x1;
	s10 =	sld [smem:$0x3FB4];
	_ =	sdelay $0x3  }
0x34: {  	[smem:$0x3FB4] =	sst s10  }
0x35: {  	s10 =	sld [smem:$0x3FB3];
	_ =	sdelay $0x3  }
0x36: {  	p1 =	seq.s32 s10, $0x1;
	s10 =	sld [smem:$0x3FB4];
	_ =	sdelay $0x3  }
0x37: {  	[smem:$0x3FB4] =	sst s10  }
0x38: {  	s10 =	sld [smem:$0x3FB5]  }
0x39: {  	_ = 	snop;
	(pc) =	sbr.ind lr, $3  }
0x3a: {  	_ = 	snop  }
0x3b: {  	_ = 	snop  }
0x3c: {  	p2 =	seq.s32 s10, $0x1;
	s10 =	sld [smem:$0x3FB4]  }
0x3d: {  	_ =	shalt  }
0x3e: {  	_ =	shalt  }
0x3f: {  	_ =	shalt  }
0x40: {  	_ =	shalt  }
0x41: {  	_ =	shalt  }
0x42: {  	_ =	shalt  }
0x43: {  	_ =	shalt  }
0x44: {  	_ =	shalt  }
0x45: {  	_ =	shalt  }
0x46: {  	_ =	shalt  }
0x47: {  	_ =	shalt  }
0x48: {  	_ =	shalt  }
0x49: {  	_ =	shalt  }
0x4a: {  	_ =	shalt  }
0x4b: {  	_ =	shalt  }
0x4c: {  	_ =	shalt  }
0x4d: {  	_ =	shalt  }
0x4e: {  	_ =	shalt  }
0x4f: {  	_ =	shalt  }
0x50: {  	_ =	shalt  }
0x51: {  	_ =	shalt  }
0x52: {  	_ =	shalt  }
0x53: {  	_ =	shalt  }
0x54: {  	_ =	shalt  }
0x55: {  	_ =	shalt  }
0x56: {  	_ =	shalt  }
0x57: {  	_ =	shalt  }
0x58: {  	_ =	shalt  }
0x59: {  	_ =	shalt  }
0x5a: {  	_ =	shalt  }
0x5b: {  	_ =	shalt  }
0x5c: {  	_ =	shalt  }
0x5d: {  	_ =	shalt  }
0x5e: {  	_ =	shalt  }
0x5f: {  	_ =	shalt  }
0x60: {  	_ =	shalt  }
0x61: {  	_ =	shalt  }
0x62: {  	_ =	shalt  }
0x63: {  	_ =	shalt  }
0x64: {  	_ =	shalt  }
0x65: {  	_ =	shalt  }
0x66: {  	_ =	shalt  }
0x67: {  	_ =	shalt  }
0x68: {  	_ =	shalt  }
0x69: {  	_ =	shalt  }
0x6a: {  	_ =	shalt  }
0x6b: {  	_ =	shalt  }
0x6c: {  	_ =	shalt  }
0x6d: {  	_ =	shalt  }
0x6e: {  	_ =	shalt  }
0x6f: {  	_ =	shalt  }
0x70: {  	_ =	shalt  }
0x71: {  	_ =	shalt  }
0x72: {  	_ =	shalt  }
0x73: {  	_ =	shalt  }
0x74: {  	_ =	shalt  }
0x75: {  	_ =	shalt  }
0x76: {  	_ =	shalt  }
0x77: {  	_ =	shalt  }
0x78: {  	_ =	shalt  }
0x79: {  	_ =	shalt  }
0x7a: {  	_ =	shalt  }
0x7b: {  	_ =	shalt  }
0x7c: {  	_ =	shalt  }
0x7d: {  	_ =	shalt  }
0x7e: {  	_ =	shalt  }
0x7f: {  	_ =	shalt  }
0x80: {  	_ =	shalt  }
0x81: {  	_ =	shalt  }
0x82: {  	_ =	shalt  }
0x83: {  	_ =	shalt  }
0x84: {  	_ =	shalt  }
0x85: {  	_ =	shalt  }
0x86: {  	_ =	shalt  }
0x87: {  	_ =	shalt  }
.Lfunc_end0:
.L_simem_size_0:
called_computation.2_lowered:
.L_overlay_start_0:
0x88: {  	s2 =	sld [smem:$0x3FD9]  }
0x89: {  	s3 =	sld [smem:$0x3FFE];
	_ =	sdelay $0x1  }
0x8a: {  	s1 =	srdreg.scid  }
0x8b: {  	s0 =	sand.u32 $0x1, s1  }
0x8c: {  	s17 =	sshll.u32 s0, $0xA;
	s2 =	sadd.s32 s3, s2  }
0x8d: {  	s2 =	sadd.s32 s2, s17  }
0x8e: {  	[smem:$0x3FC0] =	sst s2  }
0x8f: {  	_ = 	snop  }
0x90: {  	s2 =	sld [smem:$0x3FD0];
	(tm) =	ssettm $0x1  }
0x91: {  	s18 =	sld [smem:$0x3FFB];
	_ =	sdelay $0x3  }
0x92: {  	_ =	strace s18  }
0x93: {  	s3 =	sld [smem:$0x3FFC];
	_ =	sdelay $0x3  }
0x94: {  	_ =	strace s3  }
0x95: {  	s3 =	sld [smem:$0x3FFD];
	_ =	sdelay $0x3  }
0x96: {  	_ =	strace s3  }
0x97: {  	_ =	strace $0x8FFFFFFF  }
0x98: {  	s19 =	sld [smem:$0x3FDB];
	_ =	sdelay $0x1  }
0x99: {  	s4 =	simm.s32 $_scs_section_size  }
0x9a: {  	s5 =	simm.s32 $_size__tile_overlayer_lowered;
	s6 =	simm.s32 $_tile_overlayer_lowered  }
0x9b: {  	s22 =	simm.s32 $0x1BFF;
	s21 =	sshll.u32 s6, $0x1;
	s3 =	sadd.s32 s4, s19  }
0x9c: {  	s7 =	simm.s32 $0x0;
	s20 =	sshll.u32 s5, $0x1;
	s5 =	sadd.s32 s21, s3  }
0x9d: {  	[timem:s7], [sflag:s22] =	dma.local [hbm:s5], s20  }
0x9e: {  	_ =	swait.ge [sflag:s22], s20  }
0x9f: {  	s4 =	ssub.s32 $0x0, s20;
	[sflag:s22] =	ssyncset.done $0x0  }
0xa0: {  	[sflag:s22] =	ssyncadd.s32 s4;
	_ =	sdelay $0x1  }
0xa1: {  	s23 =	simm.s32 $0x1B8B  }
0xa2: {  	_ =	swait.ge [sflag:s23], $0x1  }
0xa3: {  	[sflag:s23] =	ssyncset.done $0x0  }
0xa4: {  	s25 =	simm.s32 $0x1B8E;
	s24 =	sld [smem:$0x3FFE];
	[sflag:s23] =	ssyncadd.s32 $0xFFFFFFFF  }
0xa5: {  	s26 =	simm.s32 $execute0_lowered;
	[smem:$0x3FD2] =	sst s25  }
0xa6: {  	s5 =	sshll.u32 s26, $0x1;
	_ =	strace $0x8000004C;
	[dreg:$0x1] =	wrdreg $0xFFFFFFFF  }
0xa7: {  	s28 =	simm.s32 $_size_execute0_lowered;
	s3 =	sadd.s32 s3, s5;
	[dreg:$0x0] =	wrdreg $0x0  }
0xa8: {  	s5 =	sshll.u32 s28, $0x1;
	[dreg:$0x2] =	wrdreg s3  }
0xa9: {  	[dreg:$0x3] =	wrdreg s5  }
0xaa: {  	[dreg:$0x4] =	wrdreg $0xC0  }
0xab: {  	_ =	task [dreg:s7], $0x5FFFF  }
0xac: {  	[dreg:$0x1] =	wrdreg $0xFFFFFFFF  }
0xad: {  	[dreg:$0x0] =	wrdreg $0x60  }
0xae: {  	[dreg:$0x2] =	wrdreg s24  }
0xaf: {  	[dreg:$0x3] =	wrdreg s2  }
0xb0: {  	[dreg:$0x4] =	wrdreg $0xA8000  }
0xb1: {  	[dreg:$0x5] =	wrdreg $0x9  }
0xb2: {  	_ =	task.clear_ibuf [dreg:s7], $0x6FFFF;
	_ =	strace $0x9000004C  }
0xb3: {  	s29 =	simm.s32 $0x9;
	_ =	strace $0x8000004E  }
0xb4: {  	_ =	swait.ge [sflag:s29], $0x1  }
0xb5: {  	[sflag:s29] =	ssyncadd.s32 $0xFFFFFFFF  }
0xb6: {  	_ =	strace $0x9000004E  }
0xb7: {  	_ =	sfence  }
0xb8: {  	s30 =	sld [smem:$0x0];
	_ =	sdelay $0x2  }
0xb9: {  	s31 =	sshll.u32 s1, $0xD;
	s1 =	sshrl.u32 s1, $0x2  }
0xba: {  	s3 =	sand.u32 $0x4000, s31;
	s1 =	sadd.s32 s1, s30  }
0xbb: {  	s0 =	sor.u32 s3, s0;
	s1 =	sshll.u32 s1, $0x11  }
0xbc: {  	s0 =	sor.u32 s1, s0  }
0xbd: {  	s0 =	sadd.s32 $0x8F2B, s0  }
0xbe: {  	[sflag:s0] =	ssyncadd.remote.s32 $0x1  }
0xbf: {  	_ =	sfence.sel $0xFFFF  }
0xc0: {  	[dreg:$0x0] =	wrdreg $0xFFFFFFFF;
	(pc) =	sbr.abs _section_cstart, $3  }
0xc1: {  	[dreg:$0x1] =	wrdreg $0xFFFFFFFF  }
0xc2: {  	_ =	task.clear_ibuf [dreg:s7], $0x2FFFF;
	_ =	strace $0x9FFFFFFF  }
0xc3: {  	(tm) =	ssettm $0x7FFFFFFF  }
tec
execute0_lowered:
.L_overlay_start_1:
0x0: {  	(tag) =	ssettag $0x1  }
0x1: {  	s6 =	rddreg [dreg:$0x0]  }
0x2: {  	s7 =	rddreg [dreg:$0x1]  }
0x3: {  	s1 =	rddreg [dreg:$0x2]  }
0x4: {  	s0 =	rddreg [dreg:$0x3]  }
0x5: {  	s3 =	simm.s32 $0x0;
	s2 =	srdreg.scid;
	s14 =	simm.s32 $0x50  }
0x6: {  	s15 =	simm.s32 $0x8000;
	s16 =	simm.s32 $0x1;
	s17 =	simm.s32 $0x0  }
0x7: {  	[smem:$0x7FF] =	sst s3;
	s8 =	sand.u32 $0x1, s2;
	s2 =	stileid.u32  }
0x8: {  	s4 =	sadd.s32 $0x11800, s6;
	s5 =	smul.u32 $0x13C000, s8;
	s9 =	sshll.u32 s8, $0xF  }
0x9: {  	s10 =	sshll.u32 s2, $0xB;
	s11 =	smul.u32 $0x13C00, s2;
	_ =	strace $0x8000004D  }
0xa: {  	s12 =	smul.u32 $0x4E200, s2;
	s8 =	ssub.s32 $0x2, s8;
	s9 =	sor.u32 s10, s9  }
0xb: {  	s31 =	sshll.u32 s2, $0x6;
	s30 =	sshrl.u32 s8, $0x1;
	s10 =	sadd.s32 s9, s6  }
0xc: {  	s11 =	sadd.s32 s11, s5;
	s5 =	sadd.s32 $0x38A00, s6;
	s12 =	sshrl.u32 s12, $0x2  }
0xd: {  	s13 =	ssub.s32 s8, s30;
	s7 =	sadd.s32 s7, s9;
	s11 =	sshrl.u32 s11, $0x3  }
0xe: {  	s12 =	sadd.s32 s12, s1;
	s8 =	sadd.s32 $0x1800, s10;
	s10 =	smax.u32 s13, $0x1  }
0xf: {  	s13 =	simm.s32 $0x4000;
	s11 =	sadd.s32 s11, s6;
	s6 =	sor.u32 $0x1C02, s31  }
0x10: {  	s9 =	sadd.s32 $0x3B200, s11;
	s11 =	sshrl.u32 s12, $0x3;
	s12 =	simm.s32 $0x2  }
.LBB2_1:
0x11: {  	[spmem:s11], [sflag:s6] =	dma.local [hbm:s5], $0x2710  }
0x12: {  	_ =	swait.ge [sflag:s12], $0x2710  }
0x13: {  	[sflag:s12] =	ssyncset.done $0x0  }
0x14: {  	[sflag:s12] =	ssyncadd.s32 $0xFFFFD8F0  }
0x15: {  	[tilespmem:s3], [sflag:$0x2] =	stream.linear.gather [hbm4b:s7+s3], $0x3E80, $0x38;
	[tilespmem:$0x1E080] =	vst v63  }
0x16: {  	_ =	swait.ge [sflag:s12], $0x3E80  }
0x17: {  	[sflag:s12] =	ssyncset.done $0x0  }
0x18: {  	[sflag:s12] =	ssyncadd.s32 $0xFFFFC180  }
0x19: {  	[tilespmem:s13], [sflag:$0x2] =	stream.linear.gather [hbm4b:s8+s3], $0x3E80, $0x38;
	[tilespmem:$0x1E080] =	vst v63  }
0x1a: {  	_ =	swait.ge [sflag:s12], $0x3E80  }
0x1b: {  	[sflag:s12] =	ssyncset.done $0x0  }
0x1c: {  	[sflag:s12] =	ssyncadd.s32 $0xFFFFC180  }
0x1d: {  	s18 =	simm.s32 $0x0;
	[bflag:$0x0] =	sbarrier.arrive $0xFFFF  }
0x1e: {  	[tilespmem:s15], [sflag:$0x1] =	stream.indirect.gather [hbm4b:s4+s14], $0x80, s18, s14, $0xb8;
	[tilespmem:$0x1E080] =	vst v63  }
0x1f: {  	_ =	swait.ge [sflag:s16], $0x2800  }
0x20: {  	[sflag:s16] =	ssyncset.done $0x0  }
0x21: {  	s31 =	simm.s32 $0x4000;
	[sflag:s16] =	ssyncadd.s32 $0xFFFFD800  }
0x22: {  	[spmem:s1] =	stream.indirect.scatter.add.f32 [tilespmem:s15], [sflag:$0x2], $0x80, s31, s14, $0xb8;
	[tilespmem:$0x1E080] =	vst v63  }
0x23: {  	_ =	swait.ge [sflag:s12], $0x2800  }
0x24: {  	s19 =	simm.s32 $0x400;
	s18 =	simm.s32 $0x200;
	[sflag:s12] =	ssyncset.done $0x0  }
.LBB2_2:
0x25: {  	s20 =	sshra.s32 s18, $0x2  }
0x26: {  	[sflag:s12] =	ssyncadd.s32 $0xFFFFD800;
	s18 =	smov.u32 s19;
	s21 =	sadd.s32 $0x200, s19  }
0x27: {  	[tilespmem:s15], [sflag:$0x1] =	stream.indirect.gather [hbm4b:s4+s14], $0x80, s20, s14, $0xb8;
	[tilespmem:$0x1E080] =	vst v63  }
0x28: {  	p0 =	sne.s32 s19, $0xF800;
	_ =	swait.ge [sflag:s16], $0x2800  }
.Ltmp0:
0x29: {  	[sflag:s16] =	ssyncset.done $0x0;
	(pc) =	sbr.rel @p0 .LBB2_2-.Ltmp0, $4  }
0x2a: {  	s19 =	sadd.s32 $0x4000, s20;
	[sflag:s16] =	ssyncadd.s32 $0xFFFFD800  }
0x2b: {  	[spmem:s1] =	stream.indirect.scatter.add.f32 [tilespmem:s15], [sflag:$0x2], $0x80, s19, s14, $0xb8;
	[tilespmem:$0x1E080] =	vst v63  }
0x2c: {  	_ =	swait.ge [sflag:s12], $0x2800  }
0x2d: {  	s19 =	smov.u32 s21;
	[sflag:s12] =	ssyncset.done $0x0  }
0x2e: {  	s18 =	sshra.s32 s18, $0x2;
	[sflag:s12] =	ssyncadd.s32 $0xFFFFD800  }
0x2f: {  	[tilespmem:s15], [sflag:$0x1] =	stream.indirect.gather [hbm4b:s4+s14], $0x80, s18, s14, $0xb8;
	[tilespmem:$0x1E080] =	vst v63  }
0x30: {  	_ =	swait.ge [sflag:s16], $0x2800  }
0x31: {  	[sflag:s16] =	ssyncset.done $0x0  }
0x32: {  	s18 =	sadd.s32 $0x4000, s18;
	[sflag:s16] =	ssyncadd.s32 $0xFFFFD800  }
0x33: {  	[spmem:s1] =	stream.indirect.scatter.add.f32 [tilespmem:s15], [sflag:$0x2], $0x80, s18, s14, $0xb8;
	[tilespmem:$0x1E080] =	vst v63  }
0x34: {  	_ =	swait.ge [sflag:s12], $0x2800  }
0x35: {  	s17 =	sadd.s32 $0x1, s17;
	[sflag:s12] =	ssyncset.done $0x0  }
0x36: {  	p0 =	sne.s32 s17, s10;
	[sflag:s12] =	ssyncadd.s32 $0xFFFFD800  }
.Ltmp1:
0x37: {  	[bflag:$0x0] =	sbarrier.arrive $0xFFFF;
	(pc) =	sbr.rel @p0 .LBB2_1-.Ltmp1, $4  }
0x38: {  	[hbm:s9], [sflag:s6] =	dma.local [spmem:s11], $0x2710  }
0x39: {  	_ =	swait.ge [sflag:s12], $0x2710  }
0x3a: {  	[sflag:s12] =	ssyncset.done $0x0  }
0x3b: {  	[sflag:s12] =	ssyncadd.s32 $0xFFFFD8F0  }
0x3c: {  	_ =	sfence.sel $0x180000  }
0x3d: {  	[bflag:$0x0] =	sbarrier.arrive $0xFFFF  }
0x3e: {  	p0 =	sne.s32 s2, $0x0;
	_ =	strace $0x9000004D  }
0x3f: {  	s0 =	sadd.s32 @!p0 $0x100000, s0;
	[bflag:$0x2] =	sbarrier.arrive $0xFFFF  }
0x40: {  	[sflag:s0] =	ssyncadd.tile.s32 @!p0 $0x1;
	_ =	shalt  }
.Lfunc_end2:
_tile_overlayer_lowered:
.L_overlay_start_2:
0x41: {  	(tag) =	ssettag $0x2  }
0x42: {  	s0 =	rddreg [dreg:$0x0];
	s2 =	stileid.u32  }
0x43: {  	s1 =	rddreg [dreg:$0x1];
	p0 =	sne.s32 s2, $0x0  }
0x44: {  	s3 =	rddreg [dreg:$0x2];
	[bflag:$0x3] =	sbarrier.arrive $0xFFFF;
	s2 =	simm.s32 @!p0 $0x1C02  }
0x45: {  	[timem:s3], [sflag:s2] =	dma.local @!p0 [hbm:s0], s1  }
0x46: {  	s0 =	simm.s32 @!p0 $0x2  }
0x47: {  	_ =	swait.ge @!p0 [sflag:s0], s1  }
0x48: {  	s1 =	ssub.s32 @!p0 $0x0, s1;
	[sflag:s0] =	ssyncset.done @!p0 $0x0  }
0x49: {  	[sflag:s0] =	ssyncadd.s32 @!p0 s1  }
0x4a: {  	[bflag:$0x3] =	sbarrier.arrive $0xFFFF  }
0x4b: {  	_ =	shalt  }

// kernel: kernel.9.cloned.1.call-start
scs
__scs_entry_jumppad:
0x0: {  	(pc) =	sbr.rel $0x88, $3  }
0x1: {  	(tag) =	ssettag $0x0;
	lr =	simm.s32 $0x1  }
0x2: {  	[smem:$0x3F99] =	sst lr;
	_ =	strace $0xD0000000  }
0x3: {  	_ = 	snop  }
0x4: {  	_ = 	snop  }
0x5: {  	_ = 	snop  }
0x6: {  	_ = 	snop  }
0x7: {  	_ = 	snop  }
__scs_overlays_trampoline_lowered:
0x8: {  	[smem:$0x3FA8] =	sst s0  }
0x9: {  	[smem:$0x3FA9] =	sst s1  }
0xa: {  	[smem:$0x3FAA] =	sst s2  }
0xb: {  	[smem:$0x3FAB] =	sst s3  }
0xc: {  	[smem:$0x3FAC] =	sst s4  }
0xd: {  	[smem:$0x3FAD] =	sst s5  }
0xe: {  	[smem:$0x3FAE] =	sst s6  }
0xf: {  	[smem:$0x3FAF] =	sst s7  }
0x10: {  	[smem:$0x3FB0] =	sst s8  }
0x11: {  	[smem:$0x3FB1] =	sst s9;
	s0 =	simm.s32 @!p0 $0x0  }
0x12: {  	s1 =	sld [smem:$0x3F97];
	s0 =	simm.s32 @p0 $0x1  }
0x13: {  	[smem:$0x3FB2] =	sst s0;
	s0 =	simm.s32 @!p1 $0x0  }
0x14: {  	s2 =	sld [smem:$0x3F96];
	s0 =	simm.s32 @p1 $0x1  }
0x15: {  	[smem:$0x3FB3] =	sst s0;
	s0 =	simm.s32 @!p2 $0x0  }
0x16: {  	s3 =	sld [smem:$0x3FDB];
	s0 =	simm.s32 @p2 $0x1  }
0x17: {  	s4 =	simm.s32 $0x1BF5;
	[smem:$0x3FB5] =	sst s0  }
0x18: {  	s0 =	sld [smem:$0x3F98];
	_ =	swait.ge [sflag:s4], $0x0  }
0x19: {  	s7 =	sld [smem:$0x3F99]  }
0x1a: {  	s8 =	sadd.s32 $0xFFFFE003, lr  }
0x1b: {  	s9 =	sadd.s32 $0xFFFFFEF7, lr;
	s5 =	simm.s32 $0xFFFFFFFF;
	p2 =	slt.u32 s8, $0xFFFFF086  }
0x1c: {  	p1 =	slt.u32 s9, $0xF7A;
	s5 =	simm.s32 @!p2 $0x0  }
0x1d: {  	s5 =	simm.s32 @p1 $0x1;
	p0 =	seq.s32 s7, s2  }
0x1e: {  	s7 =	smul.u32 @!p0 $0xF7A, s2;
	p2 =	seq.s32 @!p0 s5, $0x0  }
0x1f: {  	s9 =	smul.u32 $0xF7A, s1;
	s8 =	simm.s32 @!p0 $0x1BF5;
	p2 =	por !p2, p0  }
0x20: {  	[sflag:s8] =	ssyncset.s32 @!p0 $0xFFFFF086;
	s6 =	sadd.s32 @!p0 s3, s7;
	s7 =	simm.s32 @!p0 $0x108  }
0x21: {  	s3 =	sadd.s32 s3, s9;
	s6 =	sadd.s32 @!p0 $0x88, s6;
	s7 =	simm.s32 @p2 $0x1082  }
0x22: {  	[simem:s7], [sflag:s8] =	dma.local @!p0 [hbm:s6], $0xF7A  }
0x23: {  	s9 =	sor.u32 $0xD0000000, s2;
	s6 =	simm.s32 $0x108;
	_ =	swait.ge @!p0 [sflag:s8], $0x0  }
0x24: {  	s3 =	sadd.s32 $0x88, s3;
	s6 =	simm.s32 @!p1 $0x1082;
	[sflag:s4] =	ssyncset.s32 $0xFFFFF086  }
0x25: {  	[simem:s6], [sflag:s4] =	dma.local [hbm:s3], $0xF7A  }
0x26: {  	[smem:$0x3F99] =	sst s1;
	(tag) =	ssettag s2;
	_ =	strace s9  }
0x27: {  	s1 =	sld [smem:$0x3FA9]  }
0x28: {  	s2 =	sld [smem:$0x3FAA]  }
0x29: {  	s4 =	sld [smem:$0x3FAC]  }
0x2a: {  	p0 =	seq.s32 s5, $0x0;
	s5 =	sld [smem:$0x3FAD]  }
0x2b: {  	s6 =	sld [smem:$0x3FAE]  }
0x2c: {  	s7 =	sld [smem:$0x3FAF]  }
0x2d: {  	s3 =	simm.s32 $0x108;
	s8 =	sld [smem:$0x3FB0]  }
0x2e: {  	s3 =	simm.s32 @!p0 $0x1082;
	s9 =	sld [smem:$0x3FB1]  }
0x2f: {  	lr =	sadd.s32 s0, s3;
	s0 =	sld [smem:$0x3FA8]  }
0x30: {  	s3 =	sld [smem:$0x3FAB]  }
0x31: {  	[smem:$0x3FB4] =	sst s10  }
0x32: {  	s10 =	sld [smem:$0x3FB2];
	_ =	sdelay $0x3  }
0x33: {  	p0 =	seq.s32 s10, $0x1;
	s10 =	sld [smem:$0x3FB4];
	_ =	sdelay $0x3  }
0x34: {  	[smem:$0x3FB4] =	sst s10  }
0x35: {  	s10 =	sld [smem:$0x3FB3];
	_ =	sdelay $0x3  }
0x36: {  	p1 =	seq.s32 s10, $0x1;
	s10 =	sld [smem:$0x3FB4];
	_ =	sdelay $0x3  }
0x37: {  	[smem:$0x3FB4] =	sst s10  }
0x38: {  	s10 =	sld [smem:$0x3FB5]  }
0x39: {  	_ = 	snop;
	(pc) =	sbr.ind lr, $3  }
0x3a: {  	_ = 	snop  }
0x3b: {  	_ = 	snop  }
0x3c: {  	p2 =	seq.s32 s10, $0x1;
	s10 =	sld [smem:$0x3FB4]  }
0x3d: {  	_ =	shalt  }
0x3e: {  	_ =	shalt  }
0x3f: {  	_ =	shalt  }
0x40: {  	_ =	shalt  }
0x41: {  	_ =	shalt  }
0x42: {  	_ =	shalt  }
0x43: {  	_ =	shalt  }
0x44: {  	_ =	shalt  }
0x45: {  	_ =	shalt  }
0x46: {  	_ =	shalt  }
0x47: {  	_ =	shalt  }
0x48: {  	_ =	shalt  }
0x49: {  	_ =	shalt  }
0x4a: {  	_ =	shalt  }
0x4b: {  	_ =	shalt  }
0x4c: {  	_ =	shalt  }
0x4d: {  	_ =	shalt  }
0x4e: {  	_ =	shalt  }
0x4f: {  	_ =	shalt  }
0x50: {  	_ =	shalt  }
0x51: {  	_ =	shalt  }
0x52: {  	_ =	shalt  }
0x53: {  	_ =	shalt  }
0x54: {  	_ =	shalt  }
0x55: {  	_ =	shalt  }
0x56: {  	_ =	shalt  }
0x57: {  	_ =	shalt  }
0x58: {  	_ =	shalt  }
0x59: {  	_ =	shalt  }
0x5a: {  	_ =	shalt  }
0x5b: {  	_ =	shalt  }
0x5c: {  	_ =	shalt  }
0x5d: {  	_ =	shalt  }
0x5e: {  	_ =	shalt  }
0x5f: {  	_ =	shalt  }
0x60: {  	_ =	shalt  }
0x61: {  	_ =	shalt  }
0x62: {  	_ =	shalt  }
0x63: {  	_ =	shalt  }
0x64: {  	_ =	shalt  }
0x65: {  	_ =	shalt  }
0x66: {  	_ =	shalt  }
0x67: {  	_ =	shalt  }
0x68: {  	_ =	shalt  }
0x69: {  	_ =	shalt  }
0x6a: {  	_ =	shalt  }
0x6b: {  	_ =	shalt  }
0x6c: {  	_ =	shalt  }
0x6d: {  	_ =	shalt  }
0x6e: {  	_ =	shalt  }
0x6f: {  	_ =	shalt  }
0x70: {  	_ =	shalt  }
0x71: {  	_ =	shalt  }
0x72: {  	_ =	shalt  }
0x73: {  	_ =	shalt  }
0x74: {  	_ =	shalt  }
0x75: {  	_ =	shalt  }
0x76: {  	_ =	shalt  }
0x77: {  	_ =	shalt  }
0x78: {  	_ =	shalt  }
0x79: {  	_ =	shalt  }
0x7a: {  	_ =	shalt  }
0x7b: {  	_ =	shalt  }
0x7c: {  	_ =	shalt  }
0x7d: {  	_ =	shalt  }
0x7e: {  	_ =	shalt  }
0x7f: {  	_ =	shalt  }
0x80: {  	_ =	shalt  }
0x81: {  	_ =	shalt  }
0x82: {  	_ =	shalt  }
0x83: {  	_ =	shalt  }
0x84: {  	_ =	shalt  }
0x85: {  	_ =	shalt  }
0x86: {  	_ =	shalt  }
0x87: {  	_ =	shalt  }
.Lfunc_end0:
.L_simem_size_0:
called_computation_lowered:
.L_overlay_start_0:
0x88: {  	s2 =	sld [smem:$0x3FD9]  }
0x89: {  	s3 =	sld [smem:$0x3FFE];
	_ =	sdelay $0x1  }
0x8a: {  	s1 =	srdreg.scid  }
0x8b: {  	s0 =	sand.u32 $0x1, s1  }
0x8c: {  	s17 =	sshll.u32 s0, $0xA;
	s2 =	sadd.s32 s3, s2  }
0x8d: {  	s2 =	sadd.s32 s2, s17  }
0x8e: {  	[smem:$0x3FC0] =	sst s2  }
0x8f: {  	_ = 	snop  }
0x90: {  	s2 =	sld [smem:$0x3FD0];
	(tm) =	ssettm $0x1  }
0x91: {  	s18 =	sld [smem:$0x3FFB];
	_ =	sdelay $0x3  }
0x92: {  	_ =	strace s18  }
0x93: {  	s3 =	sld [smem:$0x3FFC];
	_ =	sdelay $0x3  }
0x94: {  	_ =	strace s3  }
0x95: {  	s3 =	sld [smem:$0x3FFD];
	_ =	sdelay $0x3  }
0x96: {  	_ =	strace s3  }
0x97: {  	_ =	strace $0x8FFFFFFF  }
0x98: {  	s19 =	sld [smem:$0x3FDB];
	_ =	sdelay $0x1  }
0x99: {  	s4 =	simm.s32 $_scs_section_size  }
0x9a: {  	s5 =	simm.s32 $_size__tile_overlayer_lowered;
	s6 =	simm.s32 $_tile_overlayer_lowered  }
0x9b: {  	s22 =	simm.s32 $0x1BFF;
	s21 =	sshll.u32 s6, $0x1;
	s3 =	sadd.s32 s4, s19  }
0x9c: {  	s7 =	simm.s32 $0x0;
	s20 =	sshll.u32 s5, $0x1;
	s5 =	sadd.s32 s21, s3  }
0x9d: {  	[timem:s7], [sflag:s22] =	dma.local [hbm:s5], s20  }
0x9e: {  	_ =	swait.ge [sflag:s22], s20  }
0x9f: {  	s4 =	ssub.s32 $0x0, s20;
	[sflag:s22] =	ssyncset.done $0x0  }
0xa0: {  	[sflag:s22] =	ssyncadd.s32 s4;
	_ =	sdelay $0x1  }
0xa1: {  	s23 =	simm.s32 $0x1B8B  }
0xa2: {  	_ =	swait.ge [sflag:s23], $0x1  }
0xa3: {  	[sflag:s23] =	ssyncset.done $0x0  }
0xa4: {  	s25 =	simm.s32 $0x1B8E;
	s24 =	sld [smem:$0x3FFE];
	[sflag:s23] =	ssyncadd.s32 $0xFFFFFFFF  }
0xa5: {  	s26 =	simm.s32 $execute0_lowered;
	[smem:$0x3FD2] =	sst s25  }
0xa6: {  	s5 =	sshll.u32 s26, $0x1;
	_ =	strace $0x80000046;
	[dreg:$0x1] =	wrdreg $0xFFFFFFFF  }
0xa7: {  	s28 =	simm.s32 $_size_execute0_lowered;
	s3 =	sadd.s32 s3, s5;
	[dreg:$0x0] =	wrdreg $0x0  }
0xa8: {  	s5 =	sshll.u32 s28, $0x1;
	[dreg:$0x2] =	wrdreg s3  }
0xa9: {  	[dreg:$0x3] =	wrdreg s5  }
0xaa: {  	[dreg:$0x4] =	wrdreg $0xC0  }
0xab: {  	_ =	task [dreg:s7], $0x5FFFF  }
0xac: {  	[dreg:$0x1] =	wrdreg $0xFFFFFFFF  }
0xad: {  	[dreg:$0x0] =	wrdreg $0x60  }
0xae: {  	[dreg:$0x2] =	wrdreg s24  }
0xaf: {  	[dreg:$0x3] =	wrdreg s2  }
0xb0: {  	[dreg:$0x4] =	wrdreg $0xA8000  }
0xb1: {  	[dreg:$0x5] =	wrdreg $0x9  }
0xb2: {  	_ =	task.clear_ibuf [dreg:s7], $0x6FFFF;
	_ =	strace $0x90000046  }
0xb3: {  	s29 =	simm.s32 $0x9;
	_ =	strace $0x80000048  }
0xb4: {  	_ =	swait.ge [sflag:s29], $0x1  }
0xb5: {  	[sflag:s29] =	ssyncadd.s32 $0xFFFFFFFF  }
0xb6: {  	_ =	strace $0x90000048  }
0xb7: {  	_ =	sfence  }
0xb8: {  	s30 =	sld [smem:$0x0];
	_ =	sdelay $0x2  }
0xb9: {  	s31 =	sshll.u32 s1, $0xD;
	s1 =	sshrl.u32 s1, $0x2  }
0xba: {  	s3 =	sand.u32 $0x4000, s31;
	s1 =	sadd.s32 s1, s30  }
0xbb: {  	s0 =	sor.u32 s3, s0;
	s1 =	sshll.u32 s1, $0x11  }
0xbc: {  	s0 =	sor.u32 s1, s0  }
0xbd: {  	s0 =	sadd.s32 $0x8F2B, s0  }
0xbe: {  	[sflag:s0] =	ssyncadd.remote.s32 $0x1  }
0xbf: {  	_ =	sfence.sel $0xFFFF  }
0xc0: {  	[dreg:$0x0] =	wrdreg $0xFFFFFFFF;
	(pc) =	sbr.abs _section_cstart, $3  }
0xc1: {  	[dreg:$0x1] =	wrdreg $0xFFFFFFFF  }
0xc2: {  	_ =	task.clear_ibuf [dreg:s7], $0x2FFFF;
	_ =	strace $0x9FFFFFFF  }
0xc3: {  	(tm) =	ssettm $0x7FFFFFFF  }
tec
execute0_lowered:
.L_overlay_start_1:
0x0: {  	(tag) =	ssettag $0x1  }
0x1: {  	s6 =	rddreg [dreg:$0x0]  }
0x2: {  	s7 =	rddreg [dreg:$0x1]  }
0x3: {  	s1 =	rddreg [dreg:$0x2]  }
0x4: {  	s0 =	rddreg [dreg:$0x3]  }
0x5: {  	s3 =	simm.s32 $0x0;
	s2 =	srdreg.scid;
	s14 =	simm.s32 $0x50  }
0x6: {  	s15 =	simm.s32 $0x8000;
	s16 =	simm.s32 $0x1;
	s17 =	simm.s32 $0x0  }
0x7: {  	[smem:$0x7FF] =	sst s3;
	s8 =	sand.u32 $0x1, s2;
	s2 =	stileid.u32  }
0x8: {  	s4 =	sadd.s32 $0x11800, s6;
	s5 =	smul.u32 $0x13C000, s8;
	s9 =	sshll.u32 s8, $0xF  }
0x9: {  	s10 =	sshll.u32 s2, $0xB;
	s11 =	smul.u32 $0x13C00, s2;
	_ =	strace $0x80000047  }
0xa: {  	s12 =	smul.u32 $0x4E200, s2;
	s8 =	ssub.s32 $0x2, s8;
	s9 =	sor.u32 s10, s9  }
0xb: {  	s31 =	sshll.u32 s2, $0x6;
	s30 =	sshrl.u32 s8, $0x1;
	s10 =	sadd.s32 s9, s6  }
0xc: {  	s11 =	sadd.s32 s11, s5;
	s5 =	sadd.s32 $0x38A00, s6;
	s12 =	sshrl.u32 s12, $0x2  }
0xd: {  	s13 =	ssub.s32 s8, s30;
	s7 =	sadd.s32 s7, s9;
	s11 =	sshrl.u32 s11, $0x3  }
0xe: {  	s12 =	sadd.s32 s12, s1;
	s8 =	sadd.s32 $0x1800, s10;
	s10 =	smax.u32 s13, $0x1  }
0xf: {  	s13 =	simm.s32 $0x4000;
	s11 =	sadd.s32 s11, s6;
	s6 =	sor.u32 $0x1C02, s31  }
0x10: {  	s9 =	sadd.s32 $0x3B200, s11;
	s11 =	sshrl.u32 s12, $0x3;
	s12 =	simm.s32 $0x2  }
.LBB2_1:
0x11: {  	[spmem:s11], [sflag:s6] =	dma.local [hbm:s5], $0x2710  }
0x12: {  	_ =	swait.ge [sflag:s12], $0x2710  }
0x13: {  	[sflag:s12] =	ssyncset.done $0x0  }
0x14: {  	[sflag:s12] =	ssyncadd.s32 $0xFFFFD8F0  }
0x15: {  	[tilespmem:s3], [sflag:$0x2] =	stream.linear.gather [hbm4b:s7+s3], $0x3E80, $0x38;
	[tilespmem:$0x1E080] =	vst v63  }
0x16: {  	_ =	swait.ge [sflag:s12], $0x3E80  }
0x17: {  	[sflag:s12] =	ssyncset.done $0x0  }
0x18: {  	[sflag:s12] =	ssyncadd.s32 $0xFFFFC180  }
0x19: {  	[tilespmem:s13], [sflag:$0x2] =	stream.linear.gather [hbm4b:s8+s3], $0x3E80, $0x38;
	[tilespmem:$0x1E080] =	vst v63  }
0x1a: {  	_ =	swait.ge [sflag:s12], $0x3E80  }
0x1b: {  	[sflag:s12] =	ssyncset.done $0x0  }
0x1c: {  	[sflag:s12] =	ssyncadd.s32 $0xFFFFC180  }
0x1d: {  	s18 =	simm.s32 $0x0;
	[bflag:$0x0] =	sbarrier.arrive $0xFFFF  }
0x1e: {  	[tilespmem:s15], [sflag:$0x1] =	stream.indirect.gather [hbm4b:s4+s14], $0x80, s18, s14, $0xb8;
	[tilespmem:$0x1E080] =	vst v63  }
0x1f: {  	_ =	swait.ge [sflag:s16], $0x2800  }
0x20: {  	[sflag:s16] =	ssyncset.done $0x0  }
0x21: {  	s31 =	simm.s32 $0x4000;
	[sflag:s16] =	ssyncadd.s32 $0xFFFFD800  }
0x22: {  	[spmem:s1] =	stream.indirect.scatter.add.f32 [tilespmem:s15], [sflag:$0x2], $0x80, s31, s14, $0xb8;
	[tilespmem:$0x1E080] =	vst v63  }
0x23: {  	_ =	swait.ge [sflag:s12], $0x2800  }
0x24: {  	s19 =	simm.s32 $0x400;
	s18 =	simm.s32 $0x200;
	[sflag:s12] =	ssyncset.done $0x0  }
.LBB2_2:
0x25: {  	s20 =	sshra.s32 s18, $0x2  }
0x26: {  	[sflag:s12] =	ssyncadd.s32 $0xFFFFD800;
	s18 =	smov.u32 s19;
	s21 =	sadd.s32 $0x200, s19  }
0x27: {  	[tilespmem:s15], [sflag:$0x1] =	stream.indirect.gather [hbm4b:s4+s14], $0x80, s20, s14, $0xb8;
	[tilespmem:$0x1E080] =	vst v63  }
0x28: {  	p0 =	sne.s32 s19, $0xF800;
	_ =	swait.ge [sflag:s16], $0x2800  }
.Ltmp0:
0x29: {  	[sflag:s16] =	ssyncset.done $0x0;
	(pc) =	sbr.rel @p0 .LBB2_2-.Ltmp0, $4  }
0x2a: {  	s19 =	sadd.s32 $0x4000, s20;
	[sflag:s16] =	ssyncadd.s32 $0xFFFFD800  }
0x2b: {  	[spmem:s1] =	stream.indirect.scatter.add.f32 [tilespmem:s15], [sflag:$0x2], $0x80, s19, s14, $0xb8;
	[tilespmem:$0x1E080] =	vst v63  }
0x2c: {  	_ =	swait.ge [sflag:s12], $0x2800  }
0x2d: {  	s19 =	smov.u32 s21;
	[sflag:s12] =	ssyncset.done $0x0  }
0x2e: {  	s18 =	sshra.s32 s18, $0x2;
	[sflag:s12] =	ssyncadd.s32 $0xFFFFD800  }
0x2f: {  	[tilespmem:s15], [sflag:$0x1] =	stream.indirect.gather [hbm4b:s4+s14], $0x80, s18, s14, $0xb8;
	[tilespmem:$0x1E080] =	vst v63  }
0x30: {  	_ =	swait.ge [sflag:s16], $0x2800  }
0x31: {  	[sflag:s16] =	ssyncset.done $0x0  }
0x32: {  	s18 =	sadd.s32 $0x4000, s18;
	[sflag:s16] =	ssyncadd.s32 $0xFFFFD800  }
0x33: {  	[spmem:s1] =	stream.indirect.scatter.add.f32 [tilespmem:s15], [sflag:$0x2], $0x80, s18, s14, $0xb8;
	[tilespmem:$0x1E080] =	vst v63  }
0x34: {  	_ =	swait.ge [sflag:s12], $0x2800  }
0x35: {  	s17 =	sadd.s32 $0x1, s17;
	[sflag:s12] =	ssyncset.done $0x0  }
0x36: {  	p0 =	sne.s32 s17, s10;
	[sflag:s12] =	ssyncadd.s32 $0xFFFFD800  }
.Ltmp1:
0x37: {  	[bflag:$0x0] =	sbarrier.arrive $0xFFFF;
	(pc) =	sbr.rel @p0 .LBB2_1-.Ltmp1, $4  }
0x38: {  	[hbm:s9], [sflag:s6] =	dma.local [spmem:s11], $0x2710  }
0x39: {  	_ =	swait.ge [sflag:s12], $0x2710  }
0x3a: {  	[sflag:s12] =	ssyncset.done $0x0  }
0x3b: {  	[sflag:s12] =	ssyncadd.s32 $0xFFFFD8F0  }
0x3c: {  	_ =	sfence.sel $0x180000  }
0x3d: {  	[bflag:$0x0] =	sbarrier.arrive $0xFFFF  }
0x3e: {  	p0 =	sne.s32 s2, $0x0;
	_ =	strace $0x90000047  }
0x3f: {  	s0 =	sadd.s32 @!p0 $0x100000, s0;
	[bflag:$0x2] =	sbarrier.arrive $0xFFFF  }
0x40: {  	[sflag:s0] =	ssyncadd.tile.s32 @!p0 $0x1;
	_ =	shalt  }
.Lfunc_end2:
_tile_overlayer_lowered:
.L_overlay_start_2:
0x41: {  	(tag) =	ssettag $0x2  }
0x42: {  	s0 =	rddreg [dreg:$0x0];
	s2 =	stileid.u32  }
0x43: {  	s1 =	rddreg [dreg:$0x1];
	p0 =	sne.s32 s2, $0x0  }
0x44: {  	s3 =	rddreg [dreg:$0x2];
	[bflag:$0x3] =	sbarrier.arrive $0xFFFF;
	s2 =	simm.s32 @!p0 $0x1C02  }
0x45: {  	[timem:s3], [sflag:s2] =	dma.local @!p0 [hbm:s0], s1  }
0x46: {  	s0 =	simm.s32 @!p0 $0x2  }
0x47: {  	_ =	swait.ge @!p0 [sflag:s0], s1  }
0x48: {  	s1 =	ssub.s32 @!p0 $0x0, s1;
	[sflag:s0] =	ssyncset.done @!p0 $0x0  }
0x49: {  	[sflag:s0] =	ssyncadd.s32 @!p0 s1  }
0x4a: {  	[bflag:$0x3] =	sbarrier.arrive $0xFFFF  }
0x4b: {  	_ =	shalt  }

</sc_bundles>
